<compile_context>
chip_gen: v7x
topology: tpu7x:2x2x1
jax: 0.10.2.dev20260603
libtpu: 0.0.44.dev20260713+nightly
codegen_flags: <defaults>
</compile_context>

<pallas_src>
import functools

import jax
import jax.numpy as jnp
from jax import lax
from jax.experimental import pallas as pl
from jax.experimental.pallas import tpu as pltpu
from jax.experimental.pallas import tpu_sc as plsc

_ROWS = 16384
_COLS = 200
_N = _ROWS * _COLS
_NC = 2
_NS = 16
_NW = _NC * _NS
_PER_W = _N // _NW
_C = 6400
_G = _PER_W // _C
_LANES = 16
_W_LEN = 1000000
_STAGE_CHUNK = 25000
_STAGE_N = _W_LEN // _STAGE_CHUNK
_STAGE_ROUNDS = (_STAGE_N + _NS - 1) // _NS


def _sc_body(x_hbm, idx_hbm, w_hbm, out_hbm, w_sp, bounce,
             idx0, idx1, x0, x1, g0, g1,
             isem0, isem1, xsem0, xsem1, gsem0, gsem1, osem0, osem1):
    sid = lax.axis_index("s")
    wid = sid * _NC + lax.axis_index("c")
    base = wid * _PER_W

    for r in range(_STAGE_ROUNDS):
        ch = r * _NS + sid

        @pl.when(ch < _STAGE_N)
        def _stage():
            soff = ch * _STAGE_CHUNK
            pltpu.sync_copy(w_hbm.at[pl.ds(soff, _STAGE_CHUNK)], bounce)
            pltpu.sync_copy(bounce, w_sp.at[pl.ds(soff, _STAGE_CHUNK)])

    plsc.subcore_barrier()

    idx_b = (idx0, idx1)
    x_b = (x0, x1)
    g_b = (g0, g1)
    isem = (isem0, isem1)
    xsem = (xsem0, xsem1)
    gsem = (gsem0, gsem1)
    osem = (osem0, osem1)

    def drain(sem, ref):
        pltpu.make_async_copy(x_hbm.at[pl.ds(0, ref.shape[0])], ref, sem).wait()

    def fire_gather(idx_ref, g_ref, sem):
        pltpu.async_copy(w_sp.at[idx_ref], g_ref, sem)

    def mul_group(gv, xv):
        def mul(i, carry):
            sl = pl.ds(i * _LANES, _LANES)
            gv[sl] = gv[sl] * xv[sl]
            return carry

        lax.fori_loop(0, _C // _LANES, mul, 0, unroll=16)

    pltpu.sync_copy(idx_hbm.at[pl.ds(base, _C)], idx0)
    fire_gather(idx0, g0, gsem0)
    pltpu.async_copy(x_hbm.at[pl.ds(base, _C)], x0, xsem0)
    pltpu.async_copy(x_hbm.at[pl.ds(base + _C, _C)], x1, xsem1)
    pltpu.async_copy(idx_hbm.at[pl.ds(base + _C, _C)], idx1, isem1)

    def pair(gg, carry):
        for b in (0, 1):
            g = gg * 2 + b
            p, q = b, 1 - b
            off = base + g * _C
            drain(gsem[p], g_b[p])
            drain(xsem[p], x_b[p])

            @pl.when(g + 2 < _G)
            def _fire_idx():
                pltpu.async_copy(idx_hbm.at[pl.ds(off + 2 * _C, _C)],
                                 idx_b[p], isem[p])

            @pl.when(g + 1 < _G)
            def _fire_gather():
                @pl.when(g >= 1)
                def _wait_prev_out():
                    drain(osem[q], g_b[q])
                drain(isem[q], idx_b[q])
                fire_gather(idx_b[q], g_b[q], gsem[q])

            mul_group(g_b[p], x_b[p])

            @pl.when(g + 2 < _G)
            def _fire_x():
                pltpu.async_copy(x_hbm.at[pl.ds(off + 2 * _C, _C)],
                                 x_b[p], xsem[p])

            pltpu.async_copy(g_b[p], out_hbm.at[pl.ds(off, _C)], osem[p])
        return carry

    lax.fori_loop(0, _G // 2, pair, 0)
    drain(osem[0], g0)
    drain(osem[1], g1)


@jax.jit
def _weight_select(x_flat, idx_flat, weight):
    mesh = plsc.VectorSubcoreMesh(core_axis_name="c", subcore_axis_name="s")
    kfn = functools.partial(
        pl.kernel,
        mesh=mesh,
        out_type=jax.ShapeDtypeStruct((_N,), jnp.float32),
        scratch_types=[
            pltpu.VMEM_SHARED((_W_LEN,), jnp.float32),
            pltpu.VMEM((_STAGE_CHUNK,), jnp.float32),
            pltpu.VMEM((_C,), jnp.int32),
            pltpu.VMEM((_C,), jnp.int32),
            pltpu.VMEM((_C,), jnp.float32),
            pltpu.VMEM((_C,), jnp.float32),
            pltpu.VMEM((_C,), jnp.float32),
            pltpu.VMEM((_C,), jnp.float32),
        ] + [pltpu.SemaphoreType.DMA] * 8,
    )(_sc_body)
    return kfn(x_flat, idx_flat, weight)


def kernel(x, index, weight):
    x_flat = x.reshape(_N)
    idx_flat = index.reshape(_N).astype(jnp.int32)
    out = _weight_select(x_flat, idx_flat, weight)
    return out.reshape(_ROWS, _COLS)

# --- scband reference (transcript-rebuilt; emitter-appended) ---
"""Pipeline reference for scband-weight-selection-6536940224845 (READ-ONLY COPY).

The authoritative reference and input builder live on the scoring server;
editing this copy changes nothing except your own understanding.
"""

import jax, jax.numpy as jnp
import numpy as np

WEIGHT_LEN = 1000000

def setup_inputs(seed: int = 0) -> dict:
    key = jax.random.key(seed)
    k1, k2 = jax.random.split(key)
    x = jax.random.normal(k1, (16384, 200), dtype=jnp.float32)
    index = jax.random.randint(k2, (16384, 200), 0, WEIGHT_LEN, dtype=jnp.int64)
    weight = jnp.ones((WEIGHT_LEN,), dtype=jnp.float32)
    return {"x": x, "index": index, "weight": weight}

def reference(x, index, weight):
    # weight[index] is a gather producing a tensor of the same shape as index,
    # then elementwise multiplied with x (faithful to torch module).
    gathered = jnp.take(weight, index, axis=0)
    return gathered * x

if __name__ == "__main__":
    import jax
    _d = setup_inputs()
    print(jax.jit(kernel)(*tuple(_d.values())))

</pallas_src>

<mosaic_0001>
#map = affine_map<(d0, d1) -> (0)>
module attributes {stable_mosaic.version = 14 : i64} {
  func.func @_sc_body(%arg0: i32, %arg1: i32, %arg2: memref<3276800xf32, #tpu.memory_space<hbm>>, %arg3: memref<3276800xi32, #tpu.memory_space<hbm>>, %arg4: memref<1000000xf32, #tpu.memory_space<hbm>>, %arg5: memref<3276800xf32, #tpu.memory_space<hbm>>, %arg6: memref<1000000xf32, #tpu.memory_space<vmem_shared>>, %arg7: memref<25000xf32, #tpu.memory_space<vmem>>, %arg8: memref<6400xi32, #tpu.memory_space<vmem>>, %arg9: memref<6400xi32, #tpu.memory_space<vmem>>, %arg10: memref<6400xf32, #tpu.memory_space<vmem>>, %arg11: memref<6400xf32, #tpu.memory_space<vmem>>, %arg12: memref<6400xf32, #tpu.memory_space<vmem>>, %arg13: memref<6400xf32, #tpu.memory_space<vmem>>, %arg14: memref<!tpu.dma_semaphore, #tpu.memory_space<semaphore_mem>>, %arg15: memref<!tpu.dma_semaphore, #tpu.memory_space<semaphore_mem>>, %arg16: memref<!tpu.dma_semaphore, #tpu.memory_space<semaphore_mem>>, %arg17: memref<!tpu.dma_semaphore, #tpu.memory_space<semaphore_mem>>, %arg18: memref<!tpu.dma_semaphore, #tpu.memory_space<semaphore_mem>>, %arg19: memref<!tpu.dma_semaphore, #tpu.memory_space<semaphore_mem>>, %arg20: memref<!tpu.dma_semaphore, #tpu.memory_space<semaphore_mem>>, %arg21: memref<!tpu.dma_semaphore, #tpu.memory_space<semaphore_mem>>) attributes {dimension_semantics = [#tpu.dimension_semantics<core_parallel>, #tpu.dimension_semantics<subcore_parallel>], iteration_bounds = array<i64: 2, 16>, scalar_prefetch = 0 : i64, scratch_operands = 16 : i64, tpu.core_type = #tpu.core_type<sc_vector_subcore>, window_params = [{transform_indices = #map}, {transform_indices = #map}, {transform_indices = #map}, {transform_indices = #map}]} {
    %mul3A = arith.constant 2 : i32
    %mul3A_0 = arith.muli %arg1, %mul3A : i32
    %add3A = arith.addi %mul3A_0, %arg0 : i32
    %mul3A_1 = arith.constant 102400 : i32
    %mul3A_2 = arith.muli %add3A, %mul3A_1 : i32
    %add3A_3 = arith.constant 0 : i32
    %add3A_4 = arith.addi %add3A_3, %arg1 : i32
    %lt3A = arith.constant 40 : i32
    %lt3A_5 = arith.cmpi slt, %add3A_4, %lt3A : i32
    %convert_element_type3A = arith.extui %lt3A_5 : i1 to i32
    %cond3A = arith.constant 0 : i32
    %cond3A_6 = arith.cmpi ne, %convert_element_type3A, %cond3A : i32
    scf.if %cond3A_6 {
      %mul3A_44 = arith.constant 25000 : i32
      %mul3A_45 = arith.muli %add3A_4, %mul3A_44 : i32
      "tpu.region"() ({
        %run_scoped3A = tpu.sem_alloc : memref<!tpu.dma_semaphore, #tpu.memory_space<semaphore_mem>>
        %dma_start3A_46 = tpu.memref_slice %arg4[%mul3A_45] : memref<1000000xf32, #tpu.memory_space<hbm>> -> memref<25000xf32, #tpu.memory_space<hbm>>
        %dma_start3A_47 = tpu.memref_slice %arg4[%mul3A_45] : memref<1000000xf32, #tpu.memory_space<hbm>> -> memref<25000xf32, #tpu.memory_space<hbm>>
        tpu.enqueue_dma source(%dma_start3A_47 : memref<25000xf32, #tpu.memory_space<hbm>>) target(%arg7 : memref<25000xf32, #tpu.memory_space<vmem>>) target_semaphore(%run_scoped3A : memref<!tpu.dma_semaphore, #tpu.memory_space<semaphore_mem>>)
        %dma_wait3A_48 = tpu.memref_slice %arg4[%mul3A_45] : memref<1000000xf32, #tpu.memory_space<hbm>> -> memref<25000xf32, #tpu.memory_space<hbm>>
        %dma_wait3A_49 = tpu.memref_slice %arg4[%mul3A_45] : memref<1000000xf32, #tpu.memory_space<hbm>> -> memref<25000xf32, #tpu.memory_space<hbm>>
        tpu.wait_dma2 semaphore(%run_scoped3A : memref<!tpu.dma_semaphore, #tpu.memory_space<semaphore_mem>>) src(%dma_wait3A_49 : memref<25000xf32, #tpu.memory_space<hbm>>) dst(%arg7 : memref<25000xf32, #tpu.memory_space<vmem>>)
        tpu.yield
      }) : () -> ()
      "tpu.region"() ({
        %run_scoped3A = tpu.sem_alloc : memref<!tpu.dma_semaphore, #tpu.memory_space<semaphore_mem>>
        %dma_start3A_46 = tpu.memref_slice %arg6[%mul3A_45] : memref<1000000xf32, #tpu.memory_space<vmem_shared>> -> memref<25000xf32, #tpu.memory_space<vmem_shared>>
        %dma_start3A_47 = tpu.memref_slice %arg6[%mul3A_45] : memref<1000000xf32, #tpu.memory_space<vmem_shared>> -> memref<25000xf32, #tpu.memory_space<vmem_shared>>
        tpu.enqueue_dma source(%arg7 : memref<25000xf32, #tpu.memory_space<vmem>>) target(%dma_start3A_47 : memref<25000xf32, #tpu.memory_space<vmem_shared>>) target_semaphore(%run_scoped3A : memref<!tpu.dma_semaphore, #tpu.memory_space<semaphore_mem>>)
        %dma_wait3A_48 = tpu.memref_slice %arg6[%mul3A_45] : memref<1000000xf32, #tpu.memory_space<vmem_shared>> -> memref<25000xf32, #tpu.memory_space<vmem_shared>>
        %dma_wait3A_49 = tpu.memref_slice %arg6[%mul3A_45] : memref<1000000xf32, #tpu.memory_space<vmem_shared>> -> memref<25000xf32, #tpu.memory_space<vmem_shared>>
        tpu.wait_dma2 semaphore(%run_scoped3A : memref<!tpu.dma_semaphore, #tpu.memory_space<semaphore_mem>>) src(%arg7 : memref<25000xf32, #tpu.memory_space<vmem>>) dst(%dma_wait3A_49 : memref<25000xf32, #tpu.memory_space<vmem_shared>>)
        tpu.yield
      }) : () -> ()
    } else {
    }
    %add3A_7 = arith.constant 16 : i32
    %add3A_8 = arith.addi %add3A_7, %arg1 : i32
    %lt3A_9 = arith.constant 40 : i32
    %lt3A_10 = arith.cmpi slt, %add3A_8, %lt3A_9 : i32
    %convert_element_type3A_11 = arith.extui %lt3A_10 : i1 to i32
    %cond3A_12 = arith.constant 0 : i32
    %cond3A_13 = arith.cmpi ne, %convert_element_type3A_11, %cond3A_12 : i32
    scf.if %cond3A_13 {
      %mul3A_44 = arith.constant 25000 : i32
      %mul3A_45 = arith.muli %add3A_8, %mul3A_44 : i32
      "tpu.region"() ({
        %run_scoped3A = tpu.sem_alloc : memref<!tpu.dma_semaphore, #tpu.memory_space<semaphore_mem>>
        %dma_start3A_46 = tpu.memref_slice %arg4[%mul3A_45] : memref<1000000xf32, #tpu.memory_space<hbm>> -> memref<25000xf32, #tpu.memory_space<hbm>>
        %dma_start3A_47 = tpu.memref_slice %arg4[%mul3A_45] : memref<1000000xf32, #tpu.memory_space<hbm>> -> memref<25000xf32, #tpu.memory_space<hbm>>
        tpu.enqueue_dma source(%dma_start3A_47 : memref<25000xf32, #tpu.memory_space<hbm>>) target(%arg7 : memref<25000xf32, #tpu.memory_space<vmem>>) target_semaphore(%run_scoped3A : memref<!tpu.dma_semaphore, #tpu.memory_space<semaphore_mem>>)
        %dma_wait3A_48 = tpu.memref_slice %arg4[%mul3A_45] : memref<1000000xf32, #tpu.memory_space<hbm>> -> memref<25000xf32, #tpu.memory_space<hbm>>
        %dma_wait3A_49 = tpu.memref_slice %arg4[%mul3A_45] : memref<1000000xf32, #tpu.memory_space<hbm>> -> memref<25000xf32, #tpu.memory_space<hbm>>
        tpu.wait_dma2 semaphore(%run_scoped3A : memref<!tpu.dma_semaphore, #tpu.memory_space<semaphore_mem>>) src(%dma_wait3A_49 : memref<25000xf32, #tpu.memory_space<hbm>>) dst(%arg7 : memref<25000xf32, #tpu.memory_space<vmem>>)
        tpu.yield
      }) : () -> ()
      "tpu.region"() ({
        %run_scoped3A = tpu.sem_alloc : memref<!tpu.dma_semaphore, #tpu.memory_space<semaphore_mem>>
        %dma_start3A_46 = tpu.memref_slice %arg6[%mul3A_45] : memref<1000000xf32, #tpu.memory_space<vmem_shared>> -> memref<25000xf32, #tpu.memory_space<vmem_shared>>
        %dma_start3A_47 = tpu.memref_slice %arg6[%mul3A_45] : memref<1000000xf32, #tpu.memory_space<vmem_shared>> -> memref<25000xf32, #tpu.memory_space<vmem_shared>>
        tpu.enqueue_dma source(%arg7 : memref<25000xf32, #tpu.memory_space<vmem>>) target(%dma_start3A_47 : memref<25000xf32, #tpu.memory_space<vmem_shared>>) target_semaphore(%run_scoped3A : memref<!tpu.dma_semaphore, #tpu.memory_space<semaphore_mem>>)
        %dma_wait3A_48 = tpu.memref_slice %arg6[%mul3A_45] : memref<1000000xf32, #tpu.memory_space<vmem_shared>> -> memref<25000xf32, #tpu.memory_space<vmem_shared>>
        %dma_wait3A_49 = tpu.memref_slice %arg6[%mul3A_45] : memref<1000000xf32, #tpu.memory_space<vmem_shared>> -> memref<25000xf32, #tpu.memory_space<vmem_shared>>
        tpu.wait_dma2 semaphore(%run_scoped3A : memref<!tpu.dma_semaphore, #tpu.memory_space<semaphore_mem>>) src(%arg7 : memref<25000xf32, #tpu.memory_space<vmem>>) dst(%dma_wait3A_49 : memref<25000xf32, #tpu.memory_space<vmem_shared>>)
        tpu.yield
      }) : () -> ()
    } else {
    }
    %add3A_14 = arith.constant 32 : i32
    %add3A_15 = arith.addi %add3A_14, %arg1 : i32
    %lt3A_16 = arith.constant 40 : i32
    %lt3A_17 = arith.cmpi slt, %add3A_15, %lt3A_16 : i32
    %convert_element_type3A_18 = arith.extui %lt3A_17 : i1 to i32
    %cond3A_19 = arith.constant 0 : i32
    %cond3A_20 = arith.cmpi ne, %convert_element_type3A_18, %cond3A_19 : i32
    scf.if %cond3A_20 {
      %mul3A_44 = arith.constant 25000 : i32
      %mul3A_45 = arith.muli %add3A_15, %mul3A_44 : i32
      "tpu.region"() ({
        %run_scoped3A = tpu.sem_alloc : memref<!tpu.dma_semaphore, #tpu.memory_space<semaphore_mem>>
        %dma_start3A_46 = tpu.memref_slice %arg4[%mul3A_45] : memref<1000000xf32, #tpu.memory_space<hbm>> -> memref<25000xf32, #tpu.memory_space<hbm>>
        %dma_start3A_47 = tpu.memref_slice %arg4[%mul3A_45] : memref<1000000xf32, #tpu.memory_space<hbm>> -> memref<25000xf32, #tpu.memory_space<hbm>>
        tpu.enqueue_dma source(%dma_start3A_47 : memref<25000xf32, #tpu.memory_space<hbm>>) target(%arg7 : memref<25000xf32, #tpu.memory_space<vmem>>) target_semaphore(%run_scoped3A : memref<!tpu.dma_semaphore, #tpu.memory_space<semaphore_mem>>)
        %dma_wait3A_48 = tpu.memref_slice %arg4[%mul3A_45] : memref<1000000xf32, #tpu.memory_space<hbm>> -> memref<25000xf32, #tpu.memory_space<hbm>>
        %dma_wait3A_49 = tpu.memref_slice %arg4[%mul3A_45] : memref<1000000xf32, #tpu.memory_space<hbm>> -> memref<25000xf32, #tpu.memory_space<hbm>>
        tpu.wait_dma2 semaphore(%run_scoped3A : memref<!tpu.dma_semaphore, #tpu.memory_space<semaphore_mem>>) src(%dma_wait3A_49 : memref<25000xf32, #tpu.memory_space<hbm>>) dst(%arg7 : memref<25000xf32, #tpu.memory_space<vmem>>)
        tpu.yield
      }) : () -> ()
      "tpu.region"() ({
        %run_scoped3A = tpu.sem_alloc : memref<!tpu.dma_semaphore, #tpu.memory_space<semaphore_mem>>
        %dma_start3A_46 = tpu.memref_slice %arg6[%mul3A_45] : memref<1000000xf32, #tpu.memory_space<vmem_shared>> -> memref<25000xf32, #tpu.memory_space<vmem_shared>>
        %dma_start3A_47 = tpu.memref_slice %arg6[%mul3A_45] : memref<1000000xf32, #tpu.memory_space<vmem_shared>> -> memref<25000xf32, #tpu.memory_space<vmem_shared>>
        tpu.enqueue_dma source(%arg7 : memref<25000xf32, #tpu.memory_space<vmem>>) target(%dma_start3A_47 : memref<25000xf32, #tpu.memory_space<vmem_shared>>) target_semaphore(%run_scoped3A : memref<!tpu.dma_semaphore, #tpu.memory_space<semaphore_mem>>)
        %dma_wait3A_48 = tpu.memref_slice %arg6[%mul3A_45] : memref<1000000xf32, #tpu.memory_space<vmem_shared>> -> memref<25000xf32, #tpu.memory_space<vmem_shared>>
        %dma_wait3A_49 = tpu.memref_slice %arg6[%mul3A_45] : memref<1000000xf32, #tpu.memory_space<vmem_shared>> -> memref<25000xf32, #tpu.memory_space<vmem_shared>>
        tpu.wait_dma2 semaphore(%run_scoped3A : memref<!tpu.dma_semaphore, #tpu.memory_space<semaphore_mem>>) src(%arg7 : memref<25000xf32, #tpu.memory_space<vmem>>) dst(%dma_wait3A_49 : memref<25000xf32, #tpu.memory_space<vmem_shared>>)
        tpu.yield
      }) : () -> ()
    } else {
    }
    %barrier3A = arith.constant 0 : index
    tpu.barrier barrier_id(%barrier3A)
    "tpu.region"() ({
      %run_scoped3A = tpu.sem_alloc : memref<!tpu.dma_semaphore, #tpu.memory_space<semaphore_mem>>
      %dma_start3A_44 = tpu.memref_slice %arg3[%mul3A_2] : memref<3276800xi32, #tpu.memory_space<hbm>> -> memref<6400xi32, #tpu.memory_space<hbm>>
      %dma_start3A_45 = tpu.memref_slice %arg3[%mul3A_2] : memref<3276800xi32, #tpu.memory_space<hbm>> -> memref<6400xi32, #tpu.memory_space<hbm>>
      tpu.enqueue_dma source(%dma_start3A_45 : memref<6400xi32, #tpu.memory_space<hbm>>) target(%arg8 : memref<6400xi32, #tpu.memory_space<vmem>>) target_semaphore(%run_scoped3A : memref<!tpu.dma_semaphore, #tpu.memory_space<semaphore_mem>>)
      %dma_wait3A_46 = tpu.memref_slice %arg3[%mul3A_2] : memref<3276800xi32, #tpu.memory_space<hbm>> -> memref<6400xi32, #tpu.memory_space<hbm>>
      %dma_wait3A_47 = tpu.memref_slice %arg3[%mul3A_2] : memref<3276800xi32, #tpu.memory_space<hbm>> -> memref<6400xi32, #tpu.memory_space<hbm>>
      tpu.wait_dma2 semaphore(%run_scoped3A : memref<!tpu.dma_semaphore, #tpu.memory_space<semaphore_mem>>) src(%dma_wait3A_47 : memref<6400xi32, #tpu.memory_space<hbm>>) dst(%arg8 : memref<6400xi32, #tpu.memory_space<vmem>>)
      tpu.yield
    }) : () -> ()
    %dma_start3A = arith.constant 0 : i32
    %dma_start3A_21 = tpu.memref_slice %arg6[%dma_start3A] : memref<1000000xf32, #tpu.memory_space<vmem_shared>> -> memref<1000000xf32, #tpu.memory_space<vmem_shared>>
    tpu.enqueue_indirect_dma source(%dma_start3A_21 : memref<1000000xf32, #tpu.memory_space<vmem_shared>>) target(%arg12 : memref<6400xf32, #tpu.memory_space<vmem>>) offsets(%arg8 : memref<6400xi32, #tpu.memory_space<vmem>>) semaphore(%arg18 : memref<!tpu.dma_semaphore, #tpu.memory_space<semaphore_mem>>)
    %dma_start3A_22 = tpu.memref_slice %arg2[%mul3A_2] : memref<3276800xf32, #tpu.memory_space<hbm>> -> memref<6400xf32, #tpu.memory_space<hbm>>
    %dma_start3A_23 = tpu.memref_slice %arg2[%mul3A_2] : memref<3276800xf32, #tpu.memory_space<hbm>> -> memref<6400xf32, #tpu.memory_space<hbm>>
    tpu.enqueue_dma source(%dma_start3A_23 : memref<6400xf32, #tpu.memory_space<hbm>>) target(%arg10 : memref<6400xf32, #tpu.memory_space<vmem>>) target_semaphore(%arg16 : memref<!tpu.dma_semaphore, #tpu.memory_space<semaphore_mem>>)
    %add3A_24 = arith.constant 6400 : i32
    %add3A_25 = arith.addi %mul3A_2, %add3A_24 : i32
    %dma_start3A_26 = tpu.memref_slice %arg2[%add3A_25] : memref<3276800xf32, #tpu.memory_space<hbm>> -> memref<6400xf32, #tpu.memory_space<hbm>>
    %dma_start3A_27 = tpu.memref_slice %arg2[%add3A_25] : memref<3276800xf32, #tpu.memory_space<hbm>> -> memref<6400xf32, #tpu.memory_space<hbm>>
    tpu.enqueue_dma source(%dma_start3A_27 : memref<6400xf32, #tpu.memory_space<hbm>>) target(%arg11 : memref<6400xf32, #tpu.memory_space<vmem>>) target_semaphore(%arg17 : memref<!tpu.dma_semaphore, #tpu.memory_space<semaphore_mem>>)
    %add3A_28 = arith.constant 6400 : i32
    %add3A_29 = arith.addi %mul3A_2, %add3A_28 : i32
    %dma_start3A_30 = tpu.memref_slice %arg3[%add3A_29] : memref<3276800xi32, #tpu.memory_space<hbm>> -> memref<6400xi32, #tpu.memory_space<hbm>>
    %dma_start3A_31 = tpu.memref_slice %arg3[%add3A_29] : memref<3276800xi32, #tpu.memory_space<hbm>> -> memref<6400xi32, #tpu.memory_space<hbm>>
    tpu.enqueue_dma source(%dma_start3A_31 : memref<6400xi32, #tpu.memory_space<hbm>>) target(%arg9 : memref<6400xi32, #tpu.memory_space<vmem>>) target_semaphore(%arg15 : memref<!tpu.dma_semaphore, #tpu.memory_space<semaphore_mem>>)
    %scan3A = arith.constant 0 : i32
    %scan3A_32 = arith.constant 0 : i32
    %scan3A_33 = arith.constant 8 : i32
    %scan3A_34 = arith.addi %scan3A_32, %scan3A_33 : i32
    %scan3A_35 = arith.constant 1 : i32
    scf.for %scan3A_44 = %scan3A_32 to %scan3A_34 step %scan3A_35  : i32 {
      %mul3A_45 = arith.constant 2 : i32
      %mul3A_46 = arith.muli %scan3A_44, %mul3A_45 : i32
      %add3A_47 = arith.constant 0 : i32
      %add3A_48 = arith.addi %mul3A_46, %add3A_47 : i32
      %mul3A_49 = arith.constant 6400 : i32
      %mul3A_50 = arith.muli %add3A_48, %mul3A_49 : i32
      %add3A_51 = arith.addi %mul3A_2, %mul3A_50 : i32
      %dma_wait3A_52 = arith.constant 0 : i32
      %dma_wait3A_53 = tpu.memref_slice %arg2[%dma_wait3A_52] : memref<3276800xf32, #tpu.memory_space<hbm>> -> memref<6400xf32, #tpu.memory_space<hbm>>
      %dma_wait3A_54 = arith.constant 0 : i32
      %dma_wait3A_55 = tpu.memref_slice %arg2[%dma_wait3A_54] : memref<3276800xf32, #tpu.memory_space<hbm>> -> memref<6400xf32, #tpu.memory_space<hbm>>
      tpu.wait_dma2 semaphore(%arg18 : memref<!tpu.dma_semaphore, #tpu.memory_space<semaphore_mem>>) src(%dma_wait3A_55 : memref<6400xf32, #tpu.memory_space<hbm>>) dst(%arg12 : memref<6400xf32, #tpu.memory_space<vmem>>)
      %dma_wait3A_56 = arith.constant 0 : i32
      %dma_wait3A_57 = tpu.memref_slice %arg2[%dma_wait3A_56] : memref<3276800xf32, #tpu.memory_space<hbm>> -> memref<6400xf32, #tpu.memory_space<hbm>>
      %dma_wait3A_58 = arith.constant 0 : i32
      %dma_wait3A_59 = tpu.memref_slice %arg2[%dma_wait3A_58] : memref<3276800xf32, #tpu.memory_space<hbm>> -> memref<6400xf32, #tpu.memory_space<hbm>>
      tpu.wait_dma2 semaphore(%arg16 : memref<!tpu.dma_semaphore, #tpu.memory_space<semaphore_mem>>) src(%dma_wait3A_59 : memref<6400xf32, #tpu.memory_space<hbm>>) dst(%arg10 : memref<6400xf32, #tpu.memory_space<vmem>>)
      %add3A_60 = arith.constant 2 : i32
      %add3A_61 = arith.addi %add3A_48, %add3A_60 : i32
      %lt3A_62 = arith.constant 16 : i32
      %lt3A_63 = arith.cmpi slt, %add3A_61, %lt3A_62 : i32
      %convert_element_type3A_64 = arith.extui %lt3A_63 : i1 to i32
      %cond3A_65 = arith.constant 0 : i32
      %cond3A_66 = arith.cmpi ne, %convert_element_type3A_64, %cond3A_65 : i32
      scf.if %cond3A_66 {
        %add3A_133 = arith.constant 12800 : i32
        %add3A_134 = arith.addi %add3A_51, %add3A_133 : i32
        %dma_start3A_135 = tpu.memref_slice %arg3[%add3A_134] : memref<3276800xi32, #tpu.memory_space<hbm>> -> memref<6400xi32, #tpu.memory_space<hbm>>
        %dma_start3A_136 = tpu.memref_slice %arg3[%add3A_134] : memref<3276800xi32, #tpu.memory_space<hbm>> -> memref<6400xi32, #tpu.memory_space<hbm>>
        tpu.enqueue_dma source(%dma_start3A_136 : memref<6400xi32, #tpu.memory_space<hbm>>) target(%arg8 : memref<6400xi32, #tpu.memory_space<vmem>>) target_semaphore(%arg14 : memref<!tpu.dma_semaphore, #tpu.memory_space<semaphore_mem>>)
      } else {
      }
      %add3A_67 = arith.constant 1 : i32
      %add3A_68 = arith.addi %add3A_48, %add3A_67 : i32
      %lt3A_69 = arith.constant 16 : i32
      %lt3A_70 = arith.cmpi slt, %add3A_68, %lt3A_69 : i32
      %convert_element_type3A_71 = arith.extui %lt3A_70 : i1 to i32
      %cond3A_72 = arith.constant 0 : i32
      %cond3A_73 = arith.cmpi ne, %convert_element_type3A_71, %cond3A_72 : i32
      scf.if %cond3A_73 {
        %ge3A = arith.constant 1 : i32
        %ge3A_133 = arith.cmpi sge, %add3A_48, %ge3A : i32
        %convert_element_type3A_134 = arith.extui %ge3A_133 : i1 to i32
        %cond3A_135 = arith.constant 0 : i32
        %cond3A_136 = arith.cmpi ne, %convert_element_type3A_134, %cond3A_135 : i32
        scf.if %cond3A_136 {
          %dma_wait3A_143 = arith.constant 0 : i32
          %dma_wait3A_144 = tpu.memref_slice %arg2[%dma_wait3A_143] : memref<3276800xf32, #tpu.memory_space<hbm>> -> memref<6400xf32, #tpu.memory_space<hbm>>
          %dma_wait3A_145 = arith.constant 0 : i32
          %dma_wait3A_146 = tpu.memref_slice %arg2[%dma_wait3A_145] : memref<3276800xf32, #tpu.memory_space<hbm>> -> memref<6400xf32, #tpu.memory_space<hbm>>
          tpu.wait_dma2 semaphore(%arg21 : memref<!tpu.dma_semaphore, #tpu.memory_space<semaphore_mem>>) src(%dma_wait3A_146 : memref<6400xf32, #tpu.memory_space<hbm>>) dst(%arg13 : memref<6400xf32, #tpu.memory_space<vmem>>)
        } else {
        }
        %dma_wait3A_137 = arith.constant 0 : i32
        %dma_wait3A_138 = tpu.memref_slice %arg2[%dma_wait3A_137] : memref<3276800xf32, #tpu.memory_space<hbm>> -> memref<6400xf32, #tpu.memory_space<hbm>>
        %dma_wait3A_139 = arith.constant 0 : i32
        %dma_wait3A_140 = tpu.memref_slice %arg2[%dma_wait3A_139] : memref<3276800xf32, #tpu.memory_space<hbm>> -> memref<6400xf32, #tpu.memory_space<hbm>>
        tpu.wait_dma2 semaphore(%arg15 : memref<!tpu.dma_semaphore, #tpu.memory_space<semaphore_mem>>) src(%dma_wait3A_140 : memref<6400xf32, #tpu.memory_space<hbm>>) dst(%arg9 : memref<6400xi32, #tpu.memory_space<vmem>>)
        %dma_start3A_141 = arith.constant 0 : i32
        %dma_start3A_142 = tpu.memref_slice %arg6[%dma_start3A_141] : memref<1000000xf32, #tpu.memory_space<vmem_shared>> -> memref<1000000xf32, #tpu.memory_space<vmem_shared>>
        tpu.enqueue_indirect_dma source(%dma_start3A_142 : memref<1000000xf32, #tpu.memory_space<vmem_shared>>) target(%arg13 : memref<6400xf32, #tpu.memory_space<vmem>>) offsets(%arg9 : memref<6400xi32, #tpu.memory_space<vmem>>) semaphore(%arg19 : memref<!tpu.dma_semaphore, #tpu.memory_space<semaphore_mem>>)
      } else {
      }
      %scan3A_74 = arith.constant 0 : i32
      %scan3A_75 = arith.constant 0 : i32
      %scan3A_76 = arith.constant 400 : i32
      %scan3A_77 = arith.addi %scan3A_75, %scan3A_76 : i32
      %scan3A_78 = arith.constant 16 : i32
      scf.for %scan3A_133 = %scan3A_75 to %scan3A_77 step %scan3A_78  : i32 {
        %mul3A_134 = arith.constant 16 : i32
        %mul3A_135 = arith.muli %scan3A_133, %mul3A_134 : i32
        %get3A = arith.index_cast %mul3A_135 : i32 to index
        %get3A_136 = tpu.vector_load %arg12[%get3A] {strides = array<i32>} : memref<6400xf32, #tpu.memory_space<vmem>>, vector<16xf32>,
        %get3A_137 = vector.shape_cast %get3A_136 : vector<16xf32> to vector<16xf32>
        %get3A_138 = arith.index_cast %mul3A_135 : i32 to index
        %get3A_139 = tpu.vector_load %arg10[%get3A_138] {strides = array<i32>} : memref<6400xf32, #tpu.memory_space<vmem>>, vector<16xf32>,
        %get3A_140 = vector.shape_cast %get3A_139 : vector<16xf32> to vector<16xf32>
        %mul3A_141 = arith.mulf %get3A_137, %get3A_140 : vector<16xf32>
        %swap3A = arith.index_cast %mul3A_135 : i32 to index
        %swap3A_142 = tpu.vector_load %arg12[%swap3A] {strides = array<i32>} : memref<6400xf32, #tpu.memory_space<vmem>>, vector<16xf32>,
        %swap3A_143 = vector.shape_cast %swap3A_142 : vector<16xf32> to vector<16xf32>
        %swap3A_144 = vector.shape_cast %mul3A_141 : vector<16xf32> to vector<16xf32>
        tpu.vector_store %arg12[%swap3A], %swap3A_144 {strides = array<i32>} : memref<6400xf32, #tpu.memory_space<vmem>>, vector<16xf32>,
        %scan3A_145 = arith.constant 1 : i32
        %scan3A_146 = arith.addi %scan3A_133, %scan3A_145 : i32
        %mul3A_147 = arith.constant 16 : i32
        %mul3A_148 = arith.muli %scan3A_146, %mul3A_147 : i32
        %get3A_149 = arith.index_cast %mul3A_148 : i32 to index
        %get3A_150 = tpu.vector_load %arg12[%get3A_149] {strides = array<i32>} : memref<6400xf32, #tpu.memory_space<vmem>>, vector<16xf32>,
        %get3A_151 = vector.shape_cast %get3A_150 : vector<16xf32> to vector<16xf32>
        %get3A_152 = arith.index_cast %mul3A_148 : i32 to index
        %get3A_153 = tpu.vector_load %arg10[%get3A_152] {strides = array<i32>} : memref<6400xf32, #tpu.memory_space<vmem>>, vector<16xf32>,
        %get3A_154 = vector.shape_cast %get3A_153 : vector<16xf32> to vector<16xf32>
        %mul3A_155 = arith.mulf %get3A_151, %get3A_154 : vector<16xf32>
        %swap3A_156 = arith.index_cast %mul3A_148 : i32 to index
        %swap3A_157 = tpu.vector_load %arg12[%swap3A_156] {strides = array<i32>} : memref<6400xf32, #tpu.memory_space<vmem>>, vector<16xf32>,
        %swap3A_158 = vector.shape_cast %swap3A_157 : vector<16xf32> to vector<16xf32>
        %swap3A_159 = vector.shape_cast %mul3A_155 : vector<16xf32> to vector<16xf32>
        tpu.vector_store %arg12[%swap3A_156], %swap3A_159 {strides = array<i32>} : memref<6400xf32, #tpu.memory_space<vmem>>, vector<16xf32>,
        %scan3A_160 = arith.constant 2 : i32
        %scan3A_161 = arith.addi %scan3A_133, %scan3A_160 : i32
        %mul3A_162 = arith.constant 16 : i32
        %mul3A_163 = arith.muli %scan3A_161, %mul3A_162 : i32
        %get3A_164 = arith.index_cast %mul3A_163 : i32 to index
        %get3A_165 = tpu.vector_load %arg12[%get3A_164] {strides = array<i32>} : memref<6400xf32, #tpu.memory_space<vmem>>, vector<16xf32>,
        %get3A_166 = vector.shape_cast %get3A_165 : vector<16xf32> to vector<16xf32>
        %get3A_167 = arith.index_cast %mul3A_163 : i32 to index
        %get3A_168 = tpu.vector_load %arg10[%get3A_167] {strides = array<i32>} : memref<6400xf32, #tpu.memory_space<vmem>>, vector<16xf32>,
        %get3A_169 = vector.shape_cast %get3A_168 : vector<16xf32> to vector<16xf32>
        %mul3A_170 = arith.mulf %get3A_166, %get3A_169 : vector<16xf32>
        %swap3A_171 = arith.index_cast %mul3A_163 : i32 to index
        %swap3A_172 = tpu.vector_load %arg12[%swap3A_171] {strides = array<i32>} : memref<6400xf32, #tpu.memory_space<vmem>>, vector<16xf32>,
        %swap3A_173 = vector.shape_cast %swap3A_172 : vector<16xf32> to vector<16xf32>
        %swap3A_174 = vector.shape_cast %mul3A_170 : vector<16xf32> to vector<16xf32>
        tpu.vector_store %arg12[%swap3A_171], %swap3A_174 {strides = array<i32>} : memref<6400xf32, #tpu.memory_space<vmem>>, vector<16xf32>,
        %scan3A_175 = arith.constant 3 : i32
        %scan3A_176 = arith.addi %scan3A_133, %scan3A_175 : i32
        %mul3A_177 = arith.constant 16 : i32
        %mul3A_178 = arith.muli %scan3A_176, %mul3A_177 : i32
        %get3A_179 = arith.index_cast %mul3A_178 : i32 to index
        %get3A_180 = tpu.vector_load %arg12[%get3A_179] {strides = array<i32>} : memref<6400xf32, #tpu.memory_space<vmem>>, vector<16xf32>,
        %get3A_181 = vector.shape_cast %get3A_180 : vector<16xf32> to vector<16xf32>
        %get3A_182 = arith.index_cast %mul3A_178 : i32 to index
        %get3A_183 = tpu.vector_load %arg10[%get3A_182] {strides = array<i32>} : memref<6400xf32, #tpu.memory_space<vmem>>, vector<16xf32>,
        %get3A_184 = vector.shape_cast %get3A_183 : vector<16xf32> to vector<16xf32>
        %mul3A_185 = arith.mulf %get3A_181, %get3A_184 : vector<16xf32>
        %swap3A_186 = arith.index_cast %mul3A_178 : i32 to index
        %swap3A_187 = tpu.vector_load %arg12[%swap3A_186] {strides = array<i32>} : memref<6400xf32, #tpu.memory_space<vmem>>, vector<16xf32>,
        %swap3A_188 = vector.shape_cast %swap3A_187 : vector<16xf32> to vector<16xf32>
        %swap3A_189 = vector.shape_cast %mul3A_185 : vector<16xf32> to vector<16xf32>
        tpu.vector_store %arg12[%swap3A_186], %swap3A_189 {strides = array<i32>} : memref<6400xf32, #tpu.memory_space<vmem>>, vector<16xf32>,
        %scan3A_190 = arith.constant 4 : i32
        %scan3A_191 = arith.addi %scan3A_133, %scan3A_190 : i32
        %mul3A_192 = arith.constant 16 : i32
        %mul3A_193 = arith.muli %scan3A_191, %mul3A_192 : i32
        %get3A_194 = arith.index_cast %mul3A_193 : i32 to index
        %get3A_195 = tpu.vector_load %arg12[%get3A_194] {strides = array<i32>} : memref<6400xf32, #tpu.memory_space<vmem>>, vector<16xf32>,
        %get3A_196 = vector.shape_cast %get3A_195 : vector<16xf32> to vector<16xf32>
        %get3A_197 = arith.index_cast %mul3A_193 : i32 to index
        %get3A_198 = tpu.vector_load %arg10[%get3A_197] {strides = array<i32>} : memref<6400xf32, #tpu.memory_space<vmem>>, vector<16xf32>,
        %get3A_199 = vector.shape_cast %get3A_198 : vector<16xf32> to vector<16xf32>
        %mul3A_200 = arith.mulf %get3A_196, %get3A_199 : vector<16xf32>
        %swap3A_201 = arith.index_cast %mul3A_193 : i32 to index
        %swap3A_202 = tpu.vector_load %arg12[%swap3A_201] {strides = array<i32>} : memref<6400xf32, #tpu.memory_space<vmem>>, vector<16xf32>,
        %swap3A_203 = vector.shape_cast %swap3A_202 : vector<16xf32> to vector<16xf32>
        %swap3A_204 = vector.shape_cast %mul3A_200 : vector<16xf32> to vector<16xf32>
        tpu.vector_store %arg12[%swap3A_201], %swap3A_204 {strides = array<i32>} : memref<6400xf32, #tpu.memory_space<vmem>>, vector<16xf32>,
        %scan3A_205 = arith.constant 5 : i32
        %scan3A_206 = arith.addi %scan3A_133, %scan3A_205 : i32
        %mul3A_207 = arith.constant 16 : i32
        %mul3A_208 = arith.muli %scan3A_206, %mul3A_207 : i32
        %get3A_209 = arith.index_cast %mul3A_208 : i32 to index
        %get3A_210 = tpu.vector_load %arg12[%get3A_209] {strides = array<i32>} : memref<6400xf32, #tpu.memory_space<vmem>>, vector<16xf32>,
        %get3A_211 = vector.shape_cast %get3A_210 : vector<16xf32> to vector<16xf32>
        %get3A_212 = arith.index_cast %mul3A_208 : i32 to index
        %get3A_213 = tpu.vector_load %arg10[%get3A_212] {strides = array<i32>} : memref<6400xf32, #tpu.memory_space<vmem>>, vector<16xf32>,
        %get3A_214 = vector.shape_cast %get3A_213 : vector<16xf32> to vector<16xf32>
        %mul3A_215 = arith.mulf %get3A_211, %get3A_214 : vector<16xf32>
        %swap3A_216 = arith.index_cast %mul3A_208 : i32 to index
        %swap3A_217 = tpu.vector_load %arg12[%swap3A_216] {strides = array<i32>} : memref<6400xf32, #tpu.memory_space<vmem>>, vector<16xf32>,
        %swap3A_218 = vector.shape_cast %swap3A_217 : vector<16xf32> to vector<16xf32>
        %swap3A_219 = vector.shape_cast %mul3A_215 : vector<16xf32> to vector<16xf32>
        tpu.vector_store %arg12[%swap3A_216], %swap3A_219 {strides = array<i32>} : memref<6400xf32, #tpu.memory_space<vmem>>, vector<16xf32>,
        %scan3A_220 = arith.constant 6 : i32
        %scan3A_221 = arith.addi %scan3A_133, %scan3A_220 : i32
        %mul3A_222 = arith.constant 16 : i32
        %mul3A_223 = arith.muli %scan3A_221, %mul3A_222 : i32
        %get3A_224 = arith.index_cast %mul3A_223 : i32 to index
        %get3A_225 = tpu.vector_load %arg12[%get3A_224] {strides = array<i32>} : memref<6400xf32, #tpu.memory_space<vmem>>, vector<16xf32>,
        %get3A_226 = vector.shape_cast %get3A_225 : vector<16xf32> to vector<16xf32>
        %get3A_227 = arith.index_cast %mul3A_223 : i32 to index
        %get3A_228 = tpu.vector_load %arg10[%get3A_227] {strides = array<i32>} : memref<6400xf32, #tpu.memory_space<vmem>>, vector<16xf32>,
        %get3A_229 = vector.shape_cast %get3A_228 : vector<16xf32> to vector<16xf32>
        %mul3A_230 = arith.mulf %get3A_226, %get3A_229 : vector<16xf32>
        %swap3A_231 = arith.index_cast %mul3A_223 : i32 to index
        %swap3A_232 = tpu.vector_load %arg12[%swap3A_231] {strides = array<i32>} : memref<6400xf32, #tpu.memory_space<vmem>>, vector<16xf32>,
        %swap3A_233 = vector.shape_cast %swap3A_232 : vector<16xf32> to vector<16xf32>
        %swap3A_234 = vector.shape_cast %mul3A_230 : vector<16xf32> to vector<16xf32>
        tpu.vector_store %arg12[%swap3A_231], %swap3A_234 {strides = array<i32>} : memref<6400xf32, #tpu.memory_space<vmem>>, vector<16xf32>,
        %scan3A_235 = arith.constant 7 : i32
        %scan3A_236 = arith.addi %scan3A_133, %scan3A_235 : i32
        %mul3A_237 = arith.constant 16 : i32
        %mul3A_238 = arith.muli %scan3A_236, %mul3A_237 : i32
        %get3A_239 = arith.index_cast %mul3A_238 : i32 to index
        %get3A_240 = tpu.vector_load %arg12[%get3A_239] {strides = array<i32>} : memref<6400xf32, #tpu.memory_space<vmem>>, vector<16xf32>,
        %get3A_241 = vector.shape_cast %get3A_240 : vector<16xf32> to vector<16xf32>
        %get3A_242 = arith.index_cast %mul3A_238 : i32 to index
        %get3A_243 = tpu.vector_load %arg10[%get3A_242] {strides = array<i32>} : memref<6400xf32, #tpu.memory_space<vmem>>, vector<16xf32>,
        %get3A_244 = vector.shape_cast %get3A_243 : vector<16xf32> to vector<16xf32>
        %mul3A_245 = arith.mulf %get3A_241, %get3A_244 : vector<16xf32>
        %swap3A_246 = arith.index_cast %mul3A_238 : i32 to index
        %swap3A_247 = tpu.vector_load %arg12[%swap3A_246] {strides = array<i32>} : memref<6400xf32, #tpu.memory_space<vmem>>, vector<16xf32>,
        %swap3A_248 = vector.shape_cast %swap3A_247 : vector<16xf32> to vector<16xf32>
        %swap3A_249 = vector.shape_cast %mul3A_245 : vector<16xf32> to vector<16xf32>
        tpu.vector_store %arg12[%swap3A_246], %swap3A_249 {strides = array<i32>} : memref<6400xf32, #tpu.memory_space<vmem>>, vector<16xf32>,
        %scan3A_250 = arith.constant 8 : i32
        %scan3A_251 = arith.addi %scan3A_133, %scan3A_250 : i32
        %mul3A_252 = arith.constant 16 : i32
        %mul3A_253 = arith.muli %scan3A_251, %mul3A_252 : i32
        %get3A_254 = arith.index_cast %mul3A_253 : i32 to index
        %get3A_255 = tpu.vector_load %arg12[%get3A_254] {strides = array<i32>} : memref<6400xf32, #tpu.memory_space<vmem>>, vector<16xf32>,
        %get3A_256 = vector.shape_cast %get3A_255 : vector<16xf32> to vector<16xf32>
        %get3A_257 = arith.index_cast %mul3A_253 : i32 to index
        %get3A_258 = tpu.vector_load %arg10[%get3A_257] {strides = array<i32>} : memref<6400xf32, #tpu.memory_space<vmem>>, vector<16xf32>,
        %get3A_259 = vector.shape_cast %get3A_258 : vector<16xf32> to vector<16xf32>
        %mul3A_260 = arith.mulf %get3A_256, %get3A_259 : vector<16xf32>
        %swap3A_261 = arith.index_cast %mul3A_253 : i32 to index
        %swap3A_262 = tpu.vector_load %arg12[%swap3A_261] {strides = array<i32>} : memref<6400xf32, #tpu.memory_space<vmem>>, vector<16xf32>,
        %swap3A_263 = vector.shape_cast %swap3A_262 : vector<16xf32> to vector<16xf32>
        %swap3A_264 = vector.shape_cast %mul3A_260 : vector<16xf32> to vector<16xf32>
        tpu.vector_store %arg12[%swap3A_261], %swap3A_264 {strides = array<i32>} : memref<6400xf32, #tpu.memory_space<vmem>>, vector<16xf32>,
        %scan3A_265 = arith.constant 9 : i32
        %scan3A_266 = arith.addi %scan3A_133, %scan3A_265 : i32
        %mul3A_267 = arith.constant 16 : i32
        %mul3A_268 = arith.muli %scan3A_266, %mul3A_267 : i32
        %get3A_269 = arith.index_cast %mul3A_268 : i32 to index
        %get3A_270 = tpu.vector_load %arg12[%get3A_269] {strides = array<i32>} : memref<6400xf32, #tpu.memory_space<vmem>>, vector<16xf32>,
        %get3A_271 = vector.shape_cast %get3A_270 : vector<16xf32> to vector<16xf32>
        %get3A_272 = arith.index_cast %mul3A_268 : i32 to index
        %get3A_273 = tpu.vector_load %arg10[%get3A_272] {strides = array<i32>} : memref<6400xf32, #tpu.memory_space<vmem>>, vector<16xf32>,
        %get3A_274 = vector.shape_cast %get3A_273 : vector<16xf32> to vector<16xf32>
        %mul3A_275 = arith.mulf %get3A_271, %get3A_274 : vector<16xf32>
        %swap3A_276 = arith.index_cast %mul3A_268 : i32 to index
        %swap3A_277 = tpu.vector_load %arg12[%swap3A_276] {strides = array<i32>} : memref<6400xf32, #tpu.memory_space<vmem>>, vector<16xf32>,
        %swap3A_278 = vector.shape_cast %swap3A_277 : vector<16xf32> to vector<16xf32>
        %swap3A_279 = vector.shape_cast %mul3A_275 : vector<16xf32> to vector<16xf32>
        tpu.vector_store %arg12[%swap3A_276], %swap3A_279 {strides = array<i32>} : memref<6400xf32, #tpu.memory_space<vmem>>, vector<16xf32>,
        %scan3A_280 = arith.constant 10 : i32
        %scan3A_281 = arith.addi %scan3A_133, %scan3A_280 : i32
        %mul3A_282 = arith.constant 16 : i32
        %mul3A_283 = arith.muli %scan3A_281, %mul3A_282 : i32
        %get3A_284 = arith.index_cast %mul3A_283 : i32 to index
        %get3A_285 = tpu.vector_load %arg12[%get3A_284] {strides = array<i32>} : memref<6400xf32, #tpu.memory_space<vmem>>, vector<16xf32>,
        %get3A_286 = vector.shape_cast %get3A_285 : vector<16xf32> to vector<16xf32>
        %get3A_287 = arith.index_cast %mul3A_283 : i32 to index
        %get3A_288 = tpu.vector_load %arg10[%get3A_287] {strides = array<i32>} : memref<6400xf32, #tpu.memory_space<vmem>>, vector<16xf32>,
        %get3A_289 = vector.shape_cast %get3A_288 : vector<16xf32> to vector<16xf32>
        %mul3A_290 = arith.mulf %get3A_286, %get3A_289 : vector<16xf32>
        %swap3A_291 = arith.index_cast %mul3A_283 : i32 to index
        %swap3A_292 = tpu.vector_load %arg12[%swap3A_291] {strides = array<i32>} : memref<6400xf32, #tpu.memory_space<vmem>>, vector<16xf32>,
        %swap3A_293 = vector.shape_cast %swap3A_292 : vector<16xf32> to vector<16xf32>
        %swap3A_294 = vector.shape_cast %mul3A_290 : vector<16xf32> to vector<16xf32>
        tpu.vector_store %arg12[%swap3A_291], %swap3A_294 {strides = array<i32>} : memref<6400xf32, #tpu.memory_space<vmem>>, vector<16xf32>,
        %scan3A_295 = arith.constant 11 : i32
        %scan3A_296 = arith.addi %scan3A_133, %scan3A_295 : i32
        %mul3A_297 = arith.constant 16 : i32
        %mul3A_298 = arith.muli %scan3A_296, %mul3A_297 : i32
        %get3A_299 = arith.index_cast %mul3A_298 : i32 to index
        %get3A_300 = tpu.vector_load %arg12[%get3A_299] {strides = array<i32>} : memref<6400xf32, #tpu.memory_space<vmem>>, vector<16xf32>,
        %get3A_301 = vector.shape_cast %get3A_300 : vector<16xf32> to vector<16xf32>
        %get3A_302 = arith.index_cast %mul3A_298 : i32 to index
        %get3A_303 = tpu.vector_load %arg10[%get3A_302] {strides = array<i32>} : memref<6400xf32, #tpu.memory_space<vmem>>, vector<16xf32>,
        %get3A_304 = vector.shape_cast %get3A_303 : vector<16xf32> to vector<16xf32>
        %mul3A_305 = arith.mulf %get3A_301, %get3A_304 : vector<16xf32>
        %swap3A_306 = arith.index_cast %mul3A_298 : i32 to index
        %swap3A_307 = tpu.vector_load %arg12[%swap3A_306] {strides = array<i32>} : memref<6400xf32, #tpu.memory_space<vmem>>, vector<16xf32>,
        %swap3A_308 = vector.shape_cast %swap3A_307 : vector<16xf32> to vector<16xf32>
        %swap3A_309 = vector.shape_cast %mul3A_305 : vector<16xf32> to vector<16xf32>
        tpu.vector_store %arg12[%swap3A_306], %swap3A_309 {strides = array<i32>} : memref<6400xf32, #tpu.memory_space<vmem>>, vector<16xf32>,
        %scan3A_310 = arith.constant 12 : i32
        %scan3A_311 = arith.addi %scan3A_133, %scan3A_310 : i32
        %mul3A_312 = arith.constant 16 : i32
        %mul3A_313 = arith.muli %scan3A_311, %mul3A_312 : i32
        %get3A_314 = arith.index_cast %mul3A_313 : i32 to index
        %get3A_315 = tpu.vector_load %arg12[%get3A_314] {strides = array<i32>} : memref<6400xf32, #tpu.memory_space<vmem>>, vector<16xf32>,
        %get3A_316 = vector.shape_cast %get3A_315 : vector<16xf32> to vector<16xf32>
        %get3A_317 = arith.index_cast %mul3A_313 : i32 to index
        %get3A_318 = tpu.vector_load %arg10[%get3A_317] {strides = array<i32>} : memref<6400xf32, #tpu.memory_space<vmem>>, vector<16xf32>,
        %get3A_319 = vector.shape_cast %get3A_318 : vector<16xf32> to vector<16xf32>
        %mul3A_320 = arith.mulf %get3A_316, %get3A_319 : vector<16xf32>
        %swap3A_321 = arith.index_cast %mul3A_313 : i32 to index
        %swap3A_322 = tpu.vector_load %arg12[%swap3A_321] {strides = array<i32>} : memref<6400xf32, #tpu.memory_space<vmem>>, vector<16xf32>,
        %swap3A_323 = vector.shape_cast %swap3A_322 : vector<16xf32> to vector<16xf32>
        %swap3A_324 = vector.shape_cast %mul3A_320 : vector<16xf32> to vector<16xf32>
        tpu.vector_store %arg12[%swap3A_321], %swap3A_324 {strides = array<i32>} : memref<6400xf32, #tpu.memory_space<vmem>>, vector<16xf32>,
        %scan3A_325 = arith.constant 13 : i32
        %scan3A_326 = arith.addi %scan3A_133, %scan3A_325 : i32
        %mul3A_327 = arith.constant 16 : i32
        %mul3A_328 = arith.muli %scan3A_326, %mul3A_327 : i32
        %get3A_329 = arith.index_cast %mul3A_328 : i32 to index
        %get3A_330 = tpu.vector_load %arg12[%get3A_329] {strides = array<i32>} : memref<6400xf32, #tpu.memory_space<vmem>>, vector<16xf32>,
        %get3A_331 = vector.shape_cast %get3A_330 : vector<16xf32> to vector<16xf32>
        %get3A_332 = arith.index_cast %mul3A_328 : i32 to index
        %get3A_333 = tpu.vector_load %arg10[%get3A_332] {strides = array<i32>} : memref<6400xf32, #tpu.memory_space<vmem>>, vector<16xf32>,
        %get3A_334 = vector.shape_cast %get3A_333 : vector<16xf32> to vector<16xf32>
        %mul3A_335 = arith.mulf %get3A_331, %get3A_334 : vector<16xf32>
        %swap3A_336 = arith.index_cast %mul3A_328 : i32 to index
        %swap3A_337 = tpu.vector_load %arg12[%swap3A_336] {strides = array<i32>} : memref<6400xf32, #tpu.memory_space<vmem>>, vector<16xf32>,
        %swap3A_338 = vector.shape_cast %swap3A_337 : vector<16xf32> to vector<16xf32>
        %swap3A_339 = vector.shape_cast %mul3A_335 : vector<16xf32> to vector<16xf32>
        tpu.vector_store %arg12[%swap3A_336], %swap3A_339 {strides = array<i32>} : memref<6400xf32, #tpu.memory_space<vmem>>, vector<16xf32>,
        %scan3A_340 = arith.constant 14 : i32
        %scan3A_341 = arith.addi %scan3A_133, %scan3A_340 : i32
        %mul3A_342 = arith.constant 16 : i32
        %mul3A_343 = arith.muli %scan3A_341, %mul3A_342 : i32
        %get3A_344 = arith.index_cast %mul3A_343 : i32 to index
        %get3A_345 = tpu.vector_load %arg12[%get3A_344] {strides = array<i32>} : memref<6400xf32, #tpu.memory_space<vmem>>, vector<16xf32>,
        %get3A_346 = vector.shape_cast %get3A_345 : vector<16xf32> to vector<16xf32>
        %get3A_347 = arith.index_cast %mul3A_343 : i32 to index
        %get3A_348 = tpu.vector_load %arg10[%get3A_347] {strides = array<i32>} : memref<6400xf32, #tpu.memory_space<vmem>>, vector<16xf32>,
        %get3A_349 = vector.shape_cast %get3A_348 : vector<16xf32> to vector<16xf32>
        %mul3A_350 = arith.mulf %get3A_346, %get3A_349 : vector<16xf32>
        %swap3A_351 = arith.index_cast %mul3A_343 : i32 to index
        %swap3A_352 = tpu.vector_load %arg12[%swap3A_351] {strides = array<i32>} : memref<6400xf32, #tpu.memory_space<vmem>>, vector<16xf32>,
        %swap3A_353 = vector.shape_cast %swap3A_352 : vector<16xf32> to vector<16xf32>
        %swap3A_354 = vector.shape_cast %mul3A_350 : vector<16xf32> to vector<16xf32>
        tpu.vector_store %arg12[%swap3A_351], %swap3A_354 {strides = array<i32>} : memref<6400xf32, #tpu.memory_space<vmem>>, vector<16xf32>,
        %scan3A_355 = arith.constant 15 : i32
        %scan3A_356 = arith.addi %scan3A_133, %scan3A_355 : i32
        %mul3A_357 = arith.constant 16 : i32
        %mul3A_358 = arith.muli %scan3A_356, %mul3A_357 : i32
        %get3A_359 = arith.index_cast %mul3A_358 : i32 to index
        %get3A_360 = tpu.vector_load %arg12[%get3A_359] {strides = array<i32>} : memref<6400xf32, #tpu.memory_space<vmem>>, vector<16xf32>,
        %get3A_361 = vector.shape_cast %get3A_360 : vector<16xf32> to vector<16xf32>
        %get3A_362 = arith.index_cast %mul3A_358 : i32 to index
        %get3A_363 = tpu.vector_load %arg10[%get3A_362] {strides = array<i32>} : memref<6400xf32, #tpu.memory_space<vmem>>, vector<16xf32>,
        %get3A_364 = vector.shape_cast %get3A_363 : vector<16xf32> to vector<16xf32>
        %mul3A_365 = arith.mulf %get3A_361, %get3A_364 : vector<16xf32>
        %swap3A_366 = arith.index_cast %mul3A_358 : i32 to index
        %swap3A_367 = tpu.vector_load %arg12[%swap3A_366] {strides = array<i32>} : memref<6400xf32, #tpu.memory_space<vmem>>, vector<16xf32>,
        %swap3A_368 = vector.shape_cast %swap3A_367 : vector<16xf32> to vector<16xf32>
        %swap3A_369 = vector.shape_cast %mul3A_365 : vector<16xf32> to vector<16xf32>
        tpu.vector_store %arg12[%swap3A_366], %swap3A_369 {strides = array<i32>} : memref<6400xf32, #tpu.memory_space<vmem>>, vector<16xf32>,
      }
      %scan3A_79 = arith.constant 400 : i32
      %add3A_80 = arith.constant 2 : i32
      %add3A_81 = arith.addi %add3A_48, %add3A_80 : i32
      %lt3A_82 = arith.constant 16 : i32
      %lt3A_83 = arith.cmpi slt, %add3A_81, %lt3A_82 : i32
      %convert_element_type3A_84 = arith.extui %lt3A_83 : i1 to i32
      %cond3A_85 = arith.constant 0 : i32
      %cond3A_86 = arith.cmpi ne, %convert_element_type3A_84, %cond3A_85 : i32
      scf.if %cond3A_86 {
        %add3A_133 = arith.constant 12800 : i32
        %add3A_134 = arith.addi %add3A_51, %add3A_133 : i32
        %dma_start3A_135 = tpu.memref_slice %arg2[%add3A_134] : memref<3276800xf32, #tpu.memory_space<hbm>> -> memref<6400xf32, #tpu.memory_space<hbm>>
        %dma_start3A_136 = tpu.memref_slice %arg2[%add3A_134] : memref<3276800xf32, #tpu.memory_space<hbm>> -> memref<6400xf32, #tpu.memory_space<hbm>>
        tpu.enqueue_dma source(%dma_start3A_136 : memref<6400xf32, #tpu.memory_space<hbm>>) target(%arg10 : memref<6400xf32, #tpu.memory_space<vmem>>) target_semaphore(%arg16 : memref<!tpu.dma_semaphore, #tpu.memory_space<semaphore_mem>>)
      } else {
      }
      %dma_start3A_87 = tpu.memref_slice %arg5[%add3A_51] : memref<3276800xf32, #tpu.memory_space<hbm>> -> memref<6400xf32, #tpu.memory_space<hbm>>
      %dma_start3A_88 = tpu.memref_slice %arg5[%add3A_51] : memref<3276800xf32, #tpu.memory_space<hbm>> -> memref<6400xf32, #tpu.memory_space<hbm>>
      tpu.enqueue_dma source(%arg12 : memref<6400xf32, #tpu.memory_space<vmem>>) target(%dma_start3A_88 : memref<6400xf32, #tpu.memory_space<hbm>>) target_semaphore(%arg20 : memref<!tpu.dma_semaphore, #tpu.memory_space<semaphore_mem>>)
      %mul3A_89 = arith.constant 2 : i32
      %mul3A_90 = arith.muli %scan3A_44, %mul3A_89 : i32
      %add3A_91 = arith.constant 1 : i32
      %add3A_92 = arith.addi %mul3A_90, %add3A_91 : i32
      %mul3A_93 = arith.constant 6400 : i32
      %mul3A_94 = arith.muli %add3A_92, %mul3A_93 : i32
      %add3A_95 = arith.addi %mul3A_2, %mul3A_94 : i32
      %dma_wait3A_96 = arith.constant 0 : i32
      %dma_wait3A_97 = tpu.memref_slice %arg2[%dma_wait3A_96] : memref<3276800xf32, #tpu.memory_space<hbm>> -> memref<6400xf32, #tpu.memory_space<hbm>>
      %dma_wait3A_98 = arith.constant 0 : i32
      %dma_wait3A_99 = tpu.memref_slice %arg2[%dma_wait3A_98] : memref<3276800xf32, #tpu.memory_space<hbm>> -> memref<6400xf32, #tpu.memory_space<hbm>>
      tpu.wait_dma2 semaphore(%arg19 : memref<!tpu.dma_semaphore, #tpu.memory_space<semaphore_mem>>) src(%dma_wait3A_99 : memref<6400xf32, #tpu.memory_space<hbm>>) dst(%arg13 : memref<6400xf32, #tpu.memory_space<vmem>>)
      %dma_wait3A_100 = arith.constant 0 : i32
      %dma_wait3A_101 = tpu.memref_slice %arg2[%dma_wait3A_100] : memref<3276800xf32, #tpu.memory_space<hbm>> -> memref<6400xf32, #tpu.memory_space<hbm>>
      %dma_wait3A_102 = arith.constant 0 : i32
      %dma_wait3A_103 = tpu.memref_slice %arg2[%dma_wait3A_102] : memref<3276800xf32, #tpu.memory_space<hbm>> -> memref<6400xf32, #tpu.memory_space<hbm>>
      tpu.wait_dma2 semaphore(%arg17 : memref<!tpu.dma_semaphore, #tpu.memory_space<semaphore_mem>>) src(%dma_wait3A_103 : memref<6400xf32, #tpu.memory_space<hbm>>) dst(%arg11 : memref<6400xf32, #tpu.memory_space<vmem>>)
      %add3A_104 = arith.constant 2 : i32
      %add3A_105 = arith.addi %add3A_92, %add3A_104 : i32
      %lt3A_106 = arith.constant 16 : i32
      %lt3A_107 = arith.cmpi slt, %add3A_105, %lt3A_106 : i32
      %convert_element_type3A_108 = arith.extui %lt3A_107 : i1 to i32
      %cond3A_109 = arith.constant 0 : i32
      %cond3A_110 = arith.cmpi ne, %convert_element_type3A_108, %cond3A_109 : i32
      scf.if %cond3A_110 {
        %add3A_133 = arith.constant 12800 : i32
        %add3A_134 = arith.addi %add3A_95, %add3A_133 : i32
        %dma_start3A_135 = tpu.memref_slice %arg3[%add3A_134] : memref<3276800xi32, #tpu.memory_space<hbm>> -> memref<6400xi32, #tpu.memory_space<hbm>>
        %dma_start3A_136 = tpu.memref_slice %arg3[%add3A_134] : memref<3276800xi32, #tpu.memory_space<hbm>> -> memref<6400xi32, #tpu.memory_space<hbm>>
        tpu.enqueue_dma source(%dma_start3A_136 : memref<6400xi32, #tpu.memory_space<hbm>>) target(%arg9 : memref<6400xi32, #tpu.memory_space<vmem>>) target_semaphore(%arg15 : memref<!tpu.dma_semaphore, #tpu.memory_space<semaphore_mem>>)
      } else {
      }
      %add3A_111 = arith.constant 1 : i32
      %add3A_112 = arith.addi %add3A_92, %add3A_111 : i32
      %lt3A_113 = arith.constant 16 : i32
      %lt3A_114 = arith.cmpi slt, %add3A_112, %lt3A_113 : i32
      %convert_element_type3A_115 = arith.extui %lt3A_114 : i1 to i32
      %cond3A_116 = arith.constant 0 : i32
      %cond3A_117 = arith.cmpi ne, %convert_element_type3A_115, %cond3A_116 : i32
      scf.if %cond3A_117 {
        %ge3A = arith.constant 1 : i32
        %ge3A_133 = arith.cmpi sge, %add3A_92, %ge3A : i32
        %convert_element_type3A_134 = arith.extui %ge3A_133 : i1 to i32
        %cond3A_135 = arith.constant 0 : i32
        %cond3A_136 = arith.cmpi ne, %convert_element_type3A_134, %cond3A_135 : i32
        scf.if %cond3A_136 {
          %dma_wait3A_143 = arith.constant 0 : i32
          %dma_wait3A_144 = tpu.memref_slice %arg2[%dma_wait3A_143] : memref<3276800xf32, #tpu.memory_space<hbm>> -> memref<6400xf32, #tpu.memory_space<hbm>>
          %dma_wait3A_145 = arith.constant 0 : i32
          %dma_wait3A_146 = tpu.memref_slice %arg2[%dma_wait3A_145] : memref<3276800xf32, #tpu.memory_space<hbm>> -> memref<6400xf32, #tpu.memory_space<hbm>>
          tpu.wait_dma2 semaphore(%arg20 : memref<!tpu.dma_semaphore, #tpu.memory_space<semaphore_mem>>) src(%dma_wait3A_146 : memref<6400xf32, #tpu.memory_space<hbm>>) dst(%arg12 : memref<6400xf32, #tpu.memory_space<vmem>>)
        } else {
        }
        %dma_wait3A_137 = arith.constant 0 : i32
        %dma_wait3A_138 = tpu.memref_slice %arg2[%dma_wait3A_137] : memref<3276800xf32, #tpu.memory_space<hbm>> -> memref<6400xf32, #tpu.memory_space<hbm>>
        %dma_wait3A_139 = arith.constant 0 : i32
        %dma_wait3A_140 = tpu.memref_slice %arg2[%dma_wait3A_139] : memref<3276800xf32, #tpu.memory_space<hbm>> -> memref<6400xf32, #tpu.memory_space<hbm>>
        tpu.wait_dma2 semaphore(%arg14 : memref<!tpu.dma_semaphore, #tpu.memory_space<semaphore_mem>>) src(%dma_wait3A_140 : memref<6400xf32, #tpu.memory_space<hbm>>) dst(%arg8 : memref<6400xi32, #tpu.memory_space<vmem>>)
        %dma_start3A_141 = arith.constant 0 : i32
        %dma_start3A_142 = tpu.memref_slice %arg6[%dma_start3A_141] : memref<1000000xf32, #tpu.memory_space<vmem_shared>> -> memref<1000000xf32, #tpu.memory_space<vmem_shared>>
        tpu.enqueue_indirect_dma source(%dma_start3A_142 : memref<1000000xf32, #tpu.memory_space<vmem_shared>>) target(%arg12 : memref<6400xf32, #tpu.memory_space<vmem>>) offsets(%arg8 : memref<6400xi32, #tpu.memory_space<vmem>>) semaphore(%arg18 : memref<!tpu.dma_semaphore, #tpu.memory_space<semaphore_mem>>)
      } else {
      }
      %scan3A_118 = arith.constant 0 : i32
      %scan3A_119 = arith.constant 0 : i32
      %scan3A_120 = arith.constant 400 : i32
      %scan3A_121 = arith.addi %scan3A_119, %scan3A_120 : i32
      %scan3A_122 = arith.constant 16 : i32
      scf.for %scan3A_133 = %scan3A_119 to %scan3A_121 step %scan3A_122  : i32 {
        %mul3A_134 = arith.constant 16 : i32
        %mul3A_135 = arith.muli %scan3A_133, %mul3A_134 : i32
        %get3A = arith.index_cast %mul3A_135 : i32 to index
        %get3A_136 = tpu.vector_load %arg13[%get3A] {strides = array<i32>} : memref<6400xf32, #tpu.memory_space<vmem>>, vector<16xf32>,
        %get3A_137 = vector.shape_cast %get3A_136 : vector<16xf32> to vector<16xf32>
        %get3A_138 = arith.index_cast %mul3A_135 : i32 to index
        %get3A_139 = tpu.vector_load %arg11[%get3A_138] {strides = array<i32>} : memref<6400xf32, #tpu.memory_space<vmem>>, vector<16xf32>,
        %get3A_140 = vector.shape_cast %get3A_139 : vector<16xf32> to vector<16xf32>
        %mul3A_141 = arith.mulf %get3A_137, %get3A_140 : vector<16xf32>
        %swap3A = arith.index_cast %mul3A_135 : i32 to index
        %swap3A_142 = tpu.vector_load %arg13[%swap3A] {strides = array<i32>} : memref<6400xf32, #tpu.memory_space<vmem>>, vector<16xf32>,
        %swap3A_143 = vector.shape_cast %swap3A_142 : vector<16xf32> to vector<16xf32>
        %swap3A_144 = vector.shape_cast %mul3A_141 : vector<16xf32> to vector<16xf32>
        tpu.vector_store %arg13[%swap3A], %swap3A_144 {strides = array<i32>} : memref<6400xf32, #tpu.memory_space<vmem>>, vector<16xf32>,
        %scan3A_145 = arith.constant 1 : i32
        %scan3A_146 = arith.addi %scan3A_133, %scan3A_145 : i32
        %mul3A_147 = arith.constant 16 : i32
        %mul3A_148 = arith.muli %scan3A_146, %mul3A_147 : i32
        %get3A_149 = arith.index_cast %mul3A_148 : i32 to index
        %get3A_150 = tpu.vector_load %arg13[%get3A_149] {strides = array<i32>} : memref<6400xf32, #tpu.memory_space<vmem>>, vector<16xf32>,
        %get3A_151 = vector.shape_cast %get3A_150 : vector<16xf32> to vector<16xf32>
        %get3A_152 = arith.index_cast %mul3A_148 : i32 to index
        %get3A_153 = tpu.vector_load %arg11[%get3A_152] {strides = array<i32>} : memref<6400xf32, #tpu.memory_space<vmem>>, vector<16xf32>,
        %get3A_154 = vector.shape_cast %get3A_153 : vector<16xf32> to vector<16xf32>
        %mul3A_155 = arith.mulf %get3A_151, %get3A_154 : vector<16xf32>
        %swap3A_156 = arith.index_cast %mul3A_148 : i32 to index
        %swap3A_157 = tpu.vector_load %arg13[%swap3A_156] {strides = array<i32>} : memref<6400xf32, #tpu.memory_space<vmem>>, vector<16xf32>,
        %swap3A_158 = vector.shape_cast %swap3A_157 : vector<16xf32> to vector<16xf32>
        %swap3A_159 = vector.shape_cast %mul3A_155 : vector<16xf32> to vector<16xf32>
        tpu.vector_store %arg13[%swap3A_156], %swap3A_159 {strides = array<i32>} : memref<6400xf32, #tpu.memory_space<vmem>>, vector<16xf32>,
        %scan3A_160 = arith.constant 2 : i32
        %scan3A_161 = arith.addi %scan3A_133, %scan3A_160 : i32
        %mul3A_162 = arith.constant 16 : i32
        %mul3A_163 = arith.muli %scan3A_161, %mul3A_162 : i32
        %get3A_164 = arith.index_cast %mul3A_163 : i32 to index
        %get3A_165 = tpu.vector_load %arg13[%get3A_164] {strides = array<i32>} : memref<6400xf32, #tpu.memory_space<vmem>>, vector<16xf32>,
        %get3A_166 = vector.shape_cast %get3A_165 : vector<16xf32> to vector<16xf32>
        %get3A_167 = arith.index_cast %mul3A_163 : i32 to index
        %get3A_168 = tpu.vector_load %arg11[%get3A_167] {strides = array<i32>} : memref<6400xf32, #tpu.memory_space<vmem>>, vector<16xf32>,
        %get3A_169 = vector.shape_cast %get3A_168 : vector<16xf32> to vector<16xf32>
        %mul3A_170 = arith.mulf %get3A_166, %get3A_169 : vector<16xf32>
        %swap3A_171 = arith.index_cast %mul3A_163 : i32 to index
        %swap3A_172 = tpu.vector_load %arg13[%swap3A_171] {strides = array<i32>} : memref<6400xf32, #tpu.memory_space<vmem>>, vector<16xf32>,
        %swap3A_173 = vector.shape_cast %swap3A_172 : vector<16xf32> to vector<16xf32>
        %swap3A_174 = vector.shape_cast %mul3A_170 : vector<16xf32> to vector<16xf32>
        tpu.vector_store %arg13[%swap3A_171], %swap3A_174 {strides = array<i32>} : memref<6400xf32, #tpu.memory_space<vmem>>, vector<16xf32>,
        %scan3A_175 = arith.constant 3 : i32
        %scan3A_176 = arith.addi %scan3A_133, %scan3A_175 : i32
        %mul3A_177 = arith.constant 16 : i32
        %mul3A_178 = arith.muli %scan3A_176, %mul3A_177 : i32
        %get3A_179 = arith.index_cast %mul3A_178 : i32 to index
        %get3A_180 = tpu.vector_load %arg13[%get3A_179] {strides = array<i32>} : memref<6400xf32, #tpu.memory_space<vmem>>, vector<16xf32>,
        %get3A_181 = vector.shape_cast %get3A_180 : vector<16xf32> to vector<16xf32>
        %get3A_182 = arith.index_cast %mul3A_178 : i32 to index
        %get3A_183 = tpu.vector_load %arg11[%get3A_182] {strides = array<i32>} : memref<6400xf32, #tpu.memory_space<vmem>>, vector<16xf32>,
        %get3A_184 = vector.shape_cast %get3A_183 : vector<16xf32> to vector<16xf32>
        %mul3A_185 = arith.mulf %get3A_181, %get3A_184 : vector<16xf32>
        %swap3A_186 = arith.index_cast %mul3A_178 : i32 to index
        %swap3A_187 = tpu.vector_load %arg13[%swap3A_186] {strides = array<i32>} : memref<6400xf32, #tpu.memory_space<vmem>>, vector<16xf32>,
        %swap3A_188 = vector.shape_cast %swap3A_187 : vector<16xf32> to vector<16xf32>
        %swap3A_189 = vector.shape_cast %mul3A_185 : vector<16xf32> to vector<16xf32>
        tpu.vector_store %arg13[%swap3A_186], %swap3A_189 {strides = array<i32>} : memref<6400xf32, #tpu.memory_space<vmem>>, vector<16xf32>,
        %scan3A_190 = arith.constant 4 : i32
        %scan3A_191 = arith.addi %scan3A_133, %scan3A_190 : i32
        %mul3A_192 = arith.constant 16 : i32
        %mul3A_193 = arith.muli %scan3A_191, %mul3A_192 : i32
        %get3A_194 = arith.index_cast %mul3A_193 : i32 to index
        %get3A_195 = tpu.vector_load %arg13[%get3A_194] {strides = array<i32>} : memref<6400xf32, #tpu.memory_space<vmem>>, vector<16xf32>,
        %get3A_196 = vector.shape_cast %get3A_195 : vector<16xf32> to vector<16xf32>
        %get3A_197 = arith.index_cast %mul3A_193 : i32 to index
        %get3A_198 = tpu.vector_load %arg11[%get3A_197] {strides = array<i32>} : memref<6400xf32, #tpu.memory_space<vmem>>, vector<16xf32>,
        %get3A_199 = vector.shape_cast %get3A_198 : vector<16xf32> to vector<16xf32>
        %mul3A_200 = arith.mulf %get3A_196, %get3A_199 : vector<16xf32>
        %swap3A_201 = arith.index_cast %mul3A_193 : i32 to index
        %swap3A_202 = tpu.vector_load %arg13[%swap3A_201] {strides = array<i32>} : memref<6400xf32, #tpu.memory_space<vmem>>, vector<16xf32>,
        %swap3A_203 = vector.shape_cast %swap3A_202 : vector<16xf32> to vector<16xf32>
        %swap3A_204 = vector.shape_cast %mul3A_200 : vector<16xf32> to vector<16xf32>
        tpu.vector_store %arg13[%swap3A_201], %swap3A_204 {strides = array<i32>} : memref<6400xf32, #tpu.memory_space<vmem>>, vector<16xf32>,
        %scan3A_205 = arith.constant 5 : i32
        %scan3A_206 = arith.addi %scan3A_133, %scan3A_205 : i32
        %mul3A_207 = arith.constant 16 : i32
        %mul3A_208 = arith.muli %scan3A_206, %mul3A_207 : i32
        %get3A_209 = arith.index_cast %mul3A_208 : i32 to index
        %get3A_210 = tpu.vector_load %arg13[%get3A_209] {strides = array<i32>} : memref<6400xf32, #tpu.memory_space<vmem>>, vector<16xf32>,
        %get3A_211 = vector.shape_cast %get3A_210 : vector<16xf32> to vector<16xf32>
        %get3A_212 = arith.index_cast %mul3A_208 : i32 to index
        %get3A_213 = tpu.vector_load %arg11[%get3A_212] {strides = array<i32>} : memref<6400xf32, #tpu.memory_space<vmem>>, vector<16xf32>,
        %get3A_214 = vector.shape_cast %get3A_213 : vector<16xf32> to vector<16xf32>
        %mul3A_215 = arith.mulf %get3A_211, %get3A_214 : vector<16xf32>
        %swap3A_216 = arith.index_cast %mul3A_208 : i32 to index
        %swap3A_217 = tpu.vector_load %arg13[%swap3A_216] {strides = array<i32>} : memref<6400xf32, #tpu.memory_space<vmem>>, vector<16xf32>,
        %swap3A_218 = vector.shape_cast %swap3A_217 : vector<16xf32> to vector<16xf32>
        %swap3A_219 = vector.shape_cast %mul3A_215 : vector<16xf32> to vector<16xf32>
        tpu.vector_store %arg13[%swap3A_216], %swap3A_219 {strides = array<i32>} : memref<6400xf32, #tpu.memory_space<vmem>>, vector<16xf32>,
        %scan3A_220 = arith.constant 6 : i32
        %scan3A_221 = arith.addi %scan3A_133, %scan3A_220 : i32
        %mul3A_222 = arith.constant 16 : i32
        %mul3A_223 = arith.muli %scan3A_221, %mul3A_222 : i32
        %get3A_224 = arith.index_cast %mul3A_223 : i32 to index
        %get3A_225 = tpu.vector_load %arg13[%get3A_224] {strides = array<i32>} : memref<6400xf32, #tpu.memory_space<vmem>>, vector<16xf32>,
        %get3A_226 = vector.shape_cast %get3A_225 : vector<16xf32> to vector<16xf32>
        %get3A_227 = arith.index_cast %mul3A_223 : i32 to index
        %get3A_228 = tpu.vector_load %arg11[%get3A_227] {strides = array<i32>} : memref<6400xf32, #tpu.memory_space<vmem>>, vector<16xf32>,
        %get3A_229 = vector.shape_cast %get3A_228 : vector<16xf32> to vector<16xf32>
        %mul3A_230 = arith.mulf %get3A_226, %get3A_229 : vector<16xf32>
        %swap3A_231 = arith.index_cast %mul3A_223 : i32 to index
        %swap3A_232 = tpu.vector_load %arg13[%swap3A_231] {strides = array<i32>} : memref<6400xf32, #tpu.memory_space<vmem>>, vector<16xf32>,
        %swap3A_233 = vector.shape_cast %swap3A_232 : vector<16xf32> to vector<16xf32>
        %swap3A_234 = vector.shape_cast %mul3A_230 : vector<16xf32> to vector<16xf32>
        tpu.vector_store %arg13[%swap3A_231], %swap3A_234 {strides = array<i32>} : memref<6400xf32, #tpu.memory_space<vmem>>, vector<16xf32>,
        %scan3A_235 = arith.constant 7 : i32
        %scan3A_236 = arith.addi %scan3A_133, %scan3A_235 : i32
        %mul3A_237 = arith.constant 16 : i32
        %mul3A_238 = arith.muli %scan3A_236, %mul3A_237 : i32
        %get3A_239 = arith.index_cast %mul3A_238 : i32 to index
        %get3A_240 = tpu.vector_load %arg13[%get3A_239] {strides = array<i32>} : memref<6400xf32, #tpu.memory_space<vmem>>, vector<16xf32>,
        %get3A_241 = vector.shape_cast %get3A_240 : vector<16xf32> to vector<16xf32>
        %get3A_242 = arith.index_cast %mul3A_238 : i32 to index
        %get3A_243 = tpu.vector_load %arg11[%get3A_242] {strides = array<i32>} : memref<6400xf32, #tpu.memory_space<vmem>>, vector<16xf32>,
        %get3A_244 = vector.shape_cast %get3A_243 : vector<16xf32> to vector<16xf32>
        %mul3A_245 = arith.mulf %get3A_241, %get3A_244 : vector<16xf32>
        %swap3A_246 = arith.index_cast %mul3A_238 : i32 to index
        %swap3A_247 = tpu.vector_load %arg13[%swap3A_246] {strides = array<i32>} : memref<6400xf32, #tpu.memory_space<vmem>>, vector<16xf32>,
        %swap3A_248 = vector.shape_cast %swap3A_247 : vector<16xf32> to vector<16xf32>
        %swap3A_249 = vector.shape_cast %mul3A_245 : vector<16xf32> to vector<16xf32>
        tpu.vector_store %arg13[%swap3A_246], %swap3A_249 {strides = array<i32>} : memref<6400xf32, #tpu.memory_space<vmem>>, vector<16xf32>,
        %scan3A_250 = arith.constant 8 : i32
        %scan3A_251 = arith.addi %scan3A_133, %scan3A_250 : i32
        %mul3A_252 = arith.constant 16 : i32
        %mul3A_253 = arith.muli %scan3A_251, %mul3A_252 : i32
        %get3A_254 = arith.index_cast %mul3A_253 : i32 to index
        %get3A_255 = tpu.vector_load %arg13[%get3A_254] {strides = array<i32>} : memref<6400xf32, #tpu.memory_space<vmem>>, vector<16xf32>,
        %get3A_256 = vector.shape_cast %get3A_255 : vector<16xf32> to vector<16xf32>
        %get3A_257 = arith.index_cast %mul3A_253 : i32 to index
        %get3A_258 = tpu.vector_load %arg11[%get3A_257] {strides = array<i32>} : memref<6400xf32, #tpu.memory_space<vmem>>, vector<16xf32>,
        %get3A_259 = vector.shape_cast %get3A_258 : vector<16xf32> to vector<16xf32>
        %mul3A_260 = arith.mulf %get3A_256, %get3A_259 : vector<16xf32>
        %swap3A_261 = arith.index_cast %mul3A_253 : i32 to index
        %swap3A_262 = tpu.vector_load %arg13[%swap3A_261] {strides = array<i32>} : memref<6400xf32, #tpu.memory_space<vmem>>, vector<16xf32>,
        %swap3A_263 = vector.shape_cast %swap3A_262 : vector<16xf32> to vector<16xf32>
        %swap3A_264 = vector.shape_cast %mul3A_260 : vector<16xf32> to vector<16xf32>
        tpu.vector_store %arg13[%swap3A_261], %swap3A_264 {strides = array<i32>} : memref<6400xf32, #tpu.memory_space<vmem>>, vector<16xf32>,
        %scan3A_265 = arith.constant 9 : i32
        %scan3A_266 = arith.addi %scan3A_133, %scan3A_265 : i32
        %mul3A_267 = arith.constant 16 : i32
        %mul3A_268 = arith.muli %scan3A_266, %mul3A_267 : i32
        %get3A_269 = arith.index_cast %mul3A_268 : i32 to index
        %get3A_270 = tpu.vector_load %arg13[%get3A_269] {strides = array<i32>} : memref<6400xf32, #tpu.memory_space<vmem>>, vector<16xf32>,
        %get3A_271 = vector.shape_cast %get3A_270 : vector<16xf32> to vector<16xf32>
        %get3A_272 = arith.index_cast %mul3A_268 : i32 to index
        %get3A_273 = tpu.vector_load %arg11[%get3A_272] {strides = array<i32>} : memref<6400xf32, #tpu.memory_space<vmem>>, vector<16xf32>,
        %get3A_274 = vector.shape_cast %get3A_273 : vector<16xf32> to vector<16xf32>
        %mul3A_275 = arith.mulf %get3A_271, %get3A_274 : vector<16xf32>
        %swap3A_276 = arith.index_cast %mul3A_268 : i32 to index
        %swap3A_277 = tpu.vector_load %arg13[%swap3A_276] {strides = array<i32>} : memref<6400xf32, #tpu.memory_space<vmem>>, vector<16xf32>,
        %swap3A_278 = vector.shape_cast %swap3A_277 : vector<16xf32> to vector<16xf32>
        %swap3A_279 = vector.shape_cast %mul3A_275 : vector<16xf32> to vector<16xf32>
        tpu.vector_store %arg13[%swap3A_276], %swap3A_279 {strides = array<i32>} : memref<6400xf32, #tpu.memory_space<vmem>>, vector<16xf32>,
        %scan3A_280 = arith.constant 10 : i32
        %scan3A_281 = arith.addi %scan3A_133, %scan3A_280 : i32
        %mul3A_282 = arith.constant 16 : i32
        %mul3A_283 = arith.muli %scan3A_281, %mul3A_282 : i32
        %get3A_284 = arith.index_cast %mul3A_283 : i32 to index
        %get3A_285 = tpu.vector_load %arg13[%get3A_284] {strides = array<i32>} : memref<6400xf32, #tpu.memory_space<vmem>>, vector<16xf32>,
        %get3A_286 = vector.shape_cast %get3A_285 : vector<16xf32> to vector<16xf32>
        %get3A_287 = arith.index_cast %mul3A_283 : i32 to index
        %get3A_288 = tpu.vector_load %arg11[%get3A_287] {strides = array<i32>} : memref<6400xf32, #tpu.memory_space<vmem>>, vector<16xf32>,
        %get3A_289 = vector.shape_cast %get3A_288 : vector<16xf32> to vector<16xf32>
        %mul3A_290 = arith.mulf %get3A_286, %get3A_289 : vector<16xf32>
        %swap3A_291 = arith.index_cast %mul3A_283 : i32 to index
        %swap3A_292 = tpu.vector_load %arg13[%swap3A_291] {strides = array<i32>} : memref<6400xf32, #tpu.memory_space<vmem>>, vector<16xf32>,
        %swap3A_293 = vector.shape_cast %swap3A_292 : vector<16xf32> to vector<16xf32>
        %swap3A_294 = vector.shape_cast %mul3A_290 : vector<16xf32> to vector<16xf32>
        tpu.vector_store %arg13[%swap3A_291], %swap3A_294 {strides = array<i32>} : memref<6400xf32, #tpu.memory_space<vmem>>, vector<16xf32>,
        %scan3A_295 = arith.constant 11 : i32
        %scan3A_296 = arith.addi %scan3A_133, %scan3A_295 : i32
        %mul3A_297 = arith.constant 16 : i32
        %mul3A_298 = arith.muli %scan3A_296, %mul3A_297 : i32
        %get3A_299 = arith.index_cast %mul3A_298 : i32 to index
        %get3A_300 = tpu.vector_load %arg13[%get3A_299] {strides = array<i32>} : memref<6400xf32, #tpu.memory_space<vmem>>, vector<16xf32>,
        %get3A_301 = vector.shape_cast %get3A_300 : vector<16xf32> to vector<16xf32>
        %get3A_302 = arith.index_cast %mul3A_298 : i32 to index
        %get3A_303 = tpu.vector_load %arg11[%get3A_302] {strides = array<i32>} : memref<6400xf32, #tpu.memory_space<vmem>>, vector<16xf32>,
        %get3A_304 = vector.shape_cast %get3A_303 : vector<16xf32> to vector<16xf32>
        %mul3A_305 = arith.mulf %get3A_301, %get3A_304 : vector<16xf32>
        %swap3A_306 = arith.index_cast %mul3A_298 : i32 to index
        %swap3A_307 = tpu.vector_load %arg13[%swap3A_306] {strides = array<i32>} : memref<6400xf32, #tpu.memory_space<vmem>>, vector<16xf32>,
        %swap3A_308 = vector.shape_cast %swap3A_307 : vector<16xf32> to vector<16xf32>
        %swap3A_309 = vector.shape_cast %mul3A_305 : vector<16xf32> to vector<16xf32>
        tpu.vector_store %arg13[%swap3A_306], %swap3A_309 {strides = array<i32>} : memref<6400xf32, #tpu.memory_space<vmem>>, vector<16xf32>,
        %scan3A_310 = arith.constant 12 : i32
        %scan3A_311 = arith.addi %scan3A_133, %scan3A_310 : i32
        %mul3A_312 = arith.constant 16 : i32
        %mul3A_313 = arith.muli %scan3A_311, %mul3A_312 : i32
        %get3A_314 = arith.index_cast %mul3A_313 : i32 to index
        %get3A_315 = tpu.vector_load %arg13[%get3A_314] {strides = array<i32>} : memref<6400xf32, #tpu.memory_space<vmem>>, vector<16xf32>,
        %get3A_316 = vector.shape_cast %get3A_315 : vector<16xf32> to vector<16xf32>
        %get3A_317 = arith.index_cast %mul3A_313 : i32 to index
        %get3A_318 = tpu.vector_load %arg11[%get3A_317] {strides = array<i32>} : memref<6400xf32, #tpu.memory_space<vmem>>, vector<16xf32>,
        %get3A_319 = vector.shape_cast %get3A_318 : vector<16xf32> to vector<16xf32>
        %mul3A_320 = arith.mulf %get3A_316, %get3A_319 : vector<16xf32>
        %swap3A_321 = arith.index_cast %mul3A_313 : i32 to index
        %swap3A_322 = tpu.vector_load %arg13[%swap3A_321] {strides = array<i32>} : memref<6400xf32, #tpu.memory_space<vmem>>, vector<16xf32>,
        %swap3A_323 = vector.shape_cast %swap3A_322 : vector<16xf32> to vector<16xf32>
        %swap3A_324 = vector.shape_cast %mul3A_320 : vector<16xf32> to vector<16xf32>
        tpu.vector_store %arg13[%swap3A_321], %swap3A_324 {strides = array<i32>} : memref<6400xf32, #tpu.memory_space<vmem>>, vector<16xf32>,
        %scan3A_325 = arith.constant 13 : i32
        %scan3A_326 = arith.addi %scan3A_133, %scan3A_325 : i32
        %mul3A_327 = arith.constant 16 : i32
        %mul3A_328 = arith.muli %scan3A_326, %mul3A_327 : i32
        %get3A_329 = arith.index_cast %mul3A_328 : i32 to index
        %get3A_330 = tpu.vector_load %arg13[%get3A_329] {strides = array<i32>} : memref<6400xf32, #tpu.memory_space<vmem>>, vector<16xf32>,
        %get3A_331 = vector.shape_cast %get3A_330 : vector<16xf32> to vector<16xf32>
        %get3A_332 = arith.index_cast %mul3A_328 : i32 to index
        %get3A_333 = tpu.vector_load %arg11[%get3A_332] {strides = array<i32>} : memref<6400xf32, #tpu.memory_space<vmem>>, vector<16xf32>,
        %get3A_334 = vector.shape_cast %get3A_333 : vector<16xf32> to vector<16xf32>
        %mul3A_335 = arith.mulf %get3A_331, %get3A_334 : vector<16xf32>
        %swap3A_336 = arith.index_cast %mul3A_328 : i32 to index
        %swap3A_337 = tpu.vector_load %arg13[%swap3A_336] {strides = array<i32>} : memref<6400xf32, #tpu.memory_space<vmem>>, vector<16xf32>,
        %swap3A_338 = vector.shape_cast %swap3A_337 : vector<16xf32> to vector<16xf32>
        %swap3A_339 = vector.shape_cast %mul3A_335 : vector<16xf32> to vector<16xf32>
        tpu.vector_store %arg13[%swap3A_336], %swap3A_339 {strides = array<i32>} : memref<6400xf32, #tpu.memory_space<vmem>>, vector<16xf32>,
        %scan3A_340 = arith.constant 14 : i32
        %scan3A_341 = arith.addi %scan3A_133, %scan3A_340 : i32
        %mul3A_342 = arith.constant 16 : i32
        %mul3A_343 = arith.muli %scan3A_341, %mul3A_342 : i32
        %get3A_344 = arith.index_cast %mul3A_343 : i32 to index
        %get3A_345 = tpu.vector_load %arg13[%get3A_344] {strides = array<i32>} : memref<6400xf32, #tpu.memory_space<vmem>>, vector<16xf32>,
        %get3A_346 = vector.shape_cast %get3A_345 : vector<16xf32> to vector<16xf32>
        %get3A_347 = arith.index_cast %mul3A_343 : i32 to index
        %get3A_348 = tpu.vector_load %arg11[%get3A_347] {strides = array<i32>} : memref<6400xf32, #tpu.memory_space<vmem>>, vector<16xf32>,
        %get3A_349 = vector.shape_cast %get3A_348 : vector<16xf32> to vector<16xf32>
        %mul3A_350 = arith.mulf %get3A_346, %get3A_349 : vector<16xf32>
        %swap3A_351 = arith.index_cast %mul3A_343 : i32 to index
        %swap3A_352 = tpu.vector_load %arg13[%swap3A_351] {strides = array<i32>} : memref<6400xf32, #tpu.memory_space<vmem>>, vector<16xf32>,
        %swap3A_353 = vector.shape_cast %swap3A_352 : vector<16xf32> to vector<16xf32>
        %swap3A_354 = vector.shape_cast %mul3A_350 : vector<16xf32> to vector<16xf32>
        tpu.vector_store %arg13[%swap3A_351], %swap3A_354 {strides = array<i32>} : memref<6400xf32, #tpu.memory_space<vmem>>, vector<16xf32>,
        %scan3A_355 = arith.constant 15 : i32
        %scan3A_356 = arith.addi %scan3A_133, %scan3A_355 : i32
        %mul3A_357 = arith.constant 16 : i32
        %mul3A_358 = arith.muli %scan3A_356, %mul3A_357 : i32
        %get3A_359 = arith.index_cast %mul3A_358 : i32 to index
        %get3A_360 = tpu.vector_load %arg13[%get3A_359] {strides = array<i32>} : memref<6400xf32, #tpu.memory_space<vmem>>, vector<16xf32>,
        %get3A_361 = vector.shape_cast %get3A_360 : vector<16xf32> to vector<16xf32>
        %get3A_362 = arith.index_cast %mul3A_358 : i32 to index
        %get3A_363 = tpu.vector_load %arg11[%get3A_362] {strides = array<i32>} : memref<6400xf32, #tpu.memory_space<vmem>>, vector<16xf32>,
        %get3A_364 = vector.shape_cast %get3A_363 : vector<16xf32> to vector<16xf32>
        %mul3A_365 = arith.mulf %get3A_361, %get3A_364 : vector<16xf32>
        %swap3A_366 = arith.index_cast %mul3A_358 : i32 to index
        %swap3A_367 = tpu.vector_load %arg13[%swap3A_366] {strides = array<i32>} : memref<6400xf32, #tpu.memory_space<vmem>>, vector<16xf32>,
        %swap3A_368 = vector.shape_cast %swap3A_367 : vector<16xf32> to vector<16xf32>
        %swap3A_369 = vector.shape_cast %mul3A_365 : vector<16xf32> to vector<16xf32>
        tpu.vector_store %arg13[%swap3A_366], %swap3A_369 {strides = array<i32>} : memref<6400xf32, #tpu.memory_space<vmem>>, vector<16xf32>,
      }
      %scan3A_123 = arith.constant 400 : i32
      %add3A_124 = arith.constant 2 : i32
      %add3A_125 = arith.addi %add3A_92, %add3A_124 : i32
      %lt3A_126 = arith.constant 16 : i32
      %lt3A_127 = arith.cmpi slt, %add3A_125, %lt3A_126 : i32
      %convert_element_type3A_128 = arith.extui %lt3A_127 : i1 to i32
      %cond3A_129 = arith.constant 0 : i32
      %cond3A_130 = arith.cmpi ne, %convert_element_type3A_128, %cond3A_129 : i32
      scf.if %cond3A_130 {
        %add3A_133 = arith.constant 12800 : i32
        %add3A_134 = arith.addi %add3A_95, %add3A_133 : i32
        %dma_start3A_135 = tpu.memref_slice %arg2[%add3A_134] : memref<3276800xf32, #tpu.memory_space<hbm>> -> memref<6400xf32, #tpu.memory_space<hbm>>
        %dma_start3A_136 = tpu.memref_slice %arg2[%add3A_134] : memref<3276800xf32, #tpu.memory_space<hbm>> -> memref<6400xf32, #tpu.memory_space<hbm>>
        tpu.enqueue_dma source(%dma_start3A_136 : memref<6400xf32, #tpu.memory_space<hbm>>) target(%arg11 : memref<6400xf32, #tpu.memory_space<vmem>>) target_semaphore(%arg17 : memref<!tpu.dma_semaphore, #tpu.memory_space<semaphore_mem>>)
      } else {
      }
      %dma_start3A_131 = tpu.memref_slice %arg5[%add3A_95] : memref<3276800xf32, #tpu.memory_space<hbm>> -> memref<6400xf32, #tpu.memory_space<hbm>>
      %dma_start3A_132 = tpu.memref_slice %arg5[%add3A_95] : memref<3276800xf32, #tpu.memory_space<hbm>> -> memref<6400xf32, #tpu.memory_space<hbm>>
      tpu.enqueue_dma source(%arg13 : memref<6400xf32, #tpu.memory_space<vmem>>) target(%dma_start3A_132 : memref<6400xf32, #tpu.memory_space<hbm>>) target_semaphore(%arg21 : memref<!tpu.dma_semaphore, #tpu.memory_space<semaphore_mem>>)
    }
    %scan3A_36 = arith.constant 8 : i32
    %dma_wait3A = arith.constant 0 : i32
    %dma_wait3A_37 = tpu.memref_slice %arg2[%dma_wait3A] : memref<3276800xf32, #tpu.memory_space<hbm>> -> memref<6400xf32, #tpu.memory_space<hbm>>
    %dma_wait3A_38 = arith.constant 0 : i32
    %dma_wait3A_39 = tpu.memref_slice %arg2[%dma_wait3A_38] : memref<3276800xf32, #tpu.memory_space<hbm>> -> memref<6400xf32, #tpu.memory_space<hbm>>
    tpu.wait_dma2 semaphore(%arg20 : memref<!tpu.dma_semaphore, #tpu.memory_space<semaphore_mem>>) src(%dma_wait3A_39 : memref<6400xf32, #tpu.memory_space<hbm>>) dst(%arg12 : memref<6400xf32, #tpu.memory_space<vmem>>)
    %dma_wait3A_40 = arith.constant 0 : i32
    %dma_wait3A_41 = tpu.memref_slice %arg2[%dma_wait3A_40] : memref<3276800xf32, #tpu.memory_space<hbm>> -> memref<6400xf32, #tpu.memory_space<hbm>>
    %dma_wait3A_42 = arith.constant 0 : i32
    %dma_wait3A_43 = tpu.memref_slice %arg2[%dma_wait3A_42] : memref<3276800xf32, #tpu.memory_space<hbm>> -> memref<6400xf32, #tpu.memory_space<hbm>>
    tpu.wait_dma2 semaphore(%arg21 : memref<!tpu.dma_semaphore, #tpu.memory_space<semaphore_mem>>) src(%dma_wait3A_43 : memref<6400xf32, #tpu.memory_space<hbm>>) dst(%arg13 : memref<6400xf32, #tpu.memory_space<vmem>>)
    return
  }
}

</mosaic_0001>

<sc_bundles>
// kernel: _weight_select.3.cloned.1.call-start
scs
__scs_entry_jumppad:
0x0: {  	(pc) =	sbr.rel $0x88, $3  }
0x1: {  	(tag) =	ssettag $0x0;
	lr =	simm.s32 $0x1  }
0x2: {  	[smem:$0x3F9E] =	sst lr;
	_ =	strace $0xD0000000  }
0x3: {  	_ = 	snop  }
0x4: {  	_ = 	snop  }
0x5: {  	_ = 	snop  }
0x6: {  	_ = 	snop  }
0x7: {  	_ = 	snop  }
__scs_overlays_trampoline_lowered:
0x8: {  	[smem:$0x3FAD] =	sst s0  }
0x9: {  	[smem:$0x3FAE] =	sst s1  }
0xa: {  	[smem:$0x3FAF] =	sst s2  }
0xb: {  	[smem:$0x3FB0] =	sst s3  }
0xc: {  	[smem:$0x3FB1] =	sst s4  }
0xd: {  	[smem:$0x3FB2] =	sst s5  }
0xe: {  	[smem:$0x3FB3] =	sst s6  }
0xf: {  	[smem:$0x3FB4] =	sst s7  }
0x10: {  	[smem:$0x3FB5] =	sst s8  }
0x11: {  	[smem:$0x3FB6] =	sst s9;
	s0 =	simm.s32 @!p0 $0x0  }
0x12: {  	s1 =	sld [smem:$0x3F9C];
	s0 =	simm.s32 @p0 $0x1  }
0x13: {  	[smem:$0x3FB7] =	sst s0;
	s0 =	simm.s32 @!p1 $0x0  }
0x14: {  	s2 =	sld [smem:$0x3F9B];
	s0 =	simm.s32 @p1 $0x1  }
0x15: {  	[smem:$0x3FB8] =	sst s0;
	s0 =	simm.s32 @!p2 $0x0  }
0x16: {  	s3 =	sld [smem:$0x3FDB];
	s0 =	simm.s32 @p2 $0x1  }
0x17: {  	s4 =	simm.s32 $0x1BF5;
	[smem:$0x3FBA] =	sst s0  }
0x18: {  	s0 =	sld [smem:$0x3F9D];
	_ =	swait.ge [sflag:s4], $0x0  }
0x19: {  	s7 =	sld [smem:$0x3F9E]  }
0x1a: {  	s8 =	sadd.s32 $0xFFFFE003, lr  }
0x1b: {  	s9 =	sadd.s32 $0xFFFFFEF7, lr;
	s5 =	simm.s32 $0xFFFFFFFF;
	p2 =	slt.u32 s8, $0xFFFFF086  }
0x1c: {  	p1 =	slt.u32 s9, $0xF7A;
	s5 =	simm.s32 @!p2 $0x0  }
0x1d: {  	s5 =	simm.s32 @p1 $0x1;
	p0 =	seq.s32 s7, s2  }
0x1e: {  	s7 =	smul.u32 @!p0 $0xF7A, s2;
	p2 =	seq.s32 @!p0 s5, $0x0  }
0x1f: {  	s9 =	smul.u32 $0xF7A, s1;
	s8 =	simm.s32 @!p0 $0x1BF5;
	p2 =	por !p2, p0  }
0x20: {  	[sflag:s8] =	ssyncset.s32 @!p0 $0xFFFFF086;
	s6 =	sadd.s32 @!p0 s3, s7;
	s7 =	simm.s32 @!p0 $0x108  }
0x21: {  	s3 =	sadd.s32 s3, s9;
	s6 =	sadd.s32 @!p0 $0x88, s6;
	s7 =	simm.s32 @p2 $0x1082  }
0x22: {  	[simem:s7], [sflag:s8] =	dma.local @!p0 [hbm:s6], $0xF7A  }
0x23: {  	s9 =	sor.u32 $0xD0000000, s2;
	s6 =	simm.s32 $0x108;
	_ =	swait.ge @!p0 [sflag:s8], $0x0  }
0x24: {  	s3 =	sadd.s32 $0x88, s3;
	s6 =	simm.s32 @!p1 $0x1082;
	[sflag:s4] =	ssyncset.s32 $0xFFFFF086  }
0x25: {  	[simem:s6], [sflag:s4] =	dma.local [hbm:s3], $0xF7A  }
0x26: {  	[smem:$0x3F9E] =	sst s1;
	(tag) =	ssettag s2;
	_ =	strace s9  }
0x27: {  	s1 =	sld [smem:$0x3FAE]  }
0x28: {  	s2 =	sld [smem:$0x3FAF]  }
0x29: {  	s4 =	sld [smem:$0x3FB1]  }
0x2a: {  	p0 =	seq.s32 s5, $0x0;
	s5 =	sld [smem:$0x3FB2]  }
0x2b: {  	s6 =	sld [smem:$0x3FB3]  }
0x2c: {  	s7 =	sld [smem:$0x3FB4]  }
0x2d: {  	s3 =	simm.s32 $0x108;
	s8 =	sld [smem:$0x3FB5]  }
0x2e: {  	s3 =	simm.s32 @!p0 $0x1082;
	s9 =	sld [smem:$0x3FB6]  }
0x2f: {  	lr =	sadd.s32 s0, s3;
	s0 =	sld [smem:$0x3FAD]  }
0x30: {  	s3 =	sld [smem:$0x3FB0]  }
0x31: {  	[smem:$0x3FB9] =	sst s10  }
0x32: {  	s10 =	sld [smem:$0x3FB7];
	_ =	sdelay $0x3  }
0x33: {  	p0 =	seq.s32 s10, $0x1;
	s10 =	sld [smem:$0x3FB9];
	_ =	sdelay $0x3  }
0x34: {  	[smem:$0x3FB9] =	sst s10  }
0x35: {  	s10 =	sld [smem:$0x3FB8];
	_ =	sdelay $0x3  }
0x36: {  	p1 =	seq.s32 s10, $0x1;
	s10 =	sld [smem:$0x3FB9];
	_ =	sdelay $0x3  }
0x37: {  	[smem:$0x3FB9] =	sst s10  }
0x38: {  	s10 =	sld [smem:$0x3FBA]  }
0x39: {  	_ = 	snop;
	(pc) =	sbr.ind lr, $3  }
0x3a: {  	_ = 	snop  }
0x3b: {  	_ = 	snop  }
0x3c: {  	p2 =	seq.s32 s10, $0x1;
	s10 =	sld [smem:$0x3FB9]  }
0x3d: {  	_ =	shalt  }
0x3e: {  	_ =	shalt  }
0x3f: {  	_ =	shalt  }
0x40: {  	_ =	shalt  }
0x41: {  	_ =	shalt  }
0x42: {  	_ =	shalt  }
0x43: {  	_ =	shalt  }
0x44: {  	_ =	shalt  }
0x45: {  	_ =	shalt  }
0x46: {  	_ =	shalt  }
0x47: {  	_ =	shalt  }
0x48: {  	_ =	shalt  }
0x49: {  	_ =	shalt  }
0x4a: {  	_ =	shalt  }
0x4b: {  	_ =	shalt  }
0x4c: {  	_ =	shalt  }
0x4d: {  	_ =	shalt  }
0x4e: {  	_ =	shalt  }
0x4f: {  	_ =	shalt  }
0x50: {  	_ =	shalt  }
0x51: {  	_ =	shalt  }
0x52: {  	_ =	shalt  }
0x53: {  	_ =	shalt  }
0x54: {  	_ =	shalt  }
0x55: {  	_ =	shalt  }
0x56: {  	_ =	shalt  }
0x57: {  	_ =	shalt  }
0x58: {  	_ =	shalt  }
0x59: {  	_ =	shalt  }
0x5a: {  	_ =	shalt  }
0x5b: {  	_ =	shalt  }
0x5c: {  	_ =	shalt  }
0x5d: {  	_ =	shalt  }
0x5e: {  	_ =	shalt  }
0x5f: {  	_ =	shalt  }
0x60: {  	_ =	shalt  }
0x61: {  	_ =	shalt  }
0x62: {  	_ =	shalt  }
0x63: {  	_ =	shalt  }
0x64: {  	_ =	shalt  }
0x65: {  	_ =	shalt  }
0x66: {  	_ =	shalt  }
0x67: {  	_ =	shalt  }
0x68: {  	_ =	shalt  }
0x69: {  	_ =	shalt  }
0x6a: {  	_ =	shalt  }
0x6b: {  	_ =	shalt  }
0x6c: {  	_ =	shalt  }
0x6d: {  	_ =	shalt  }
0x6e: {  	_ =	shalt  }
0x6f: {  	_ =	shalt  }
0x70: {  	_ =	shalt  }
0x71: {  	_ =	shalt  }
0x72: {  	_ =	shalt  }
0x73: {  	_ =	shalt  }
0x74: {  	_ =	shalt  }
0x75: {  	_ =	shalt  }
0x76: {  	_ =	shalt  }
0x77: {  	_ =	shalt  }
0x78: {  	_ =	shalt  }
0x79: {  	_ =	shalt  }
0x7a: {  	_ =	shalt  }
0x7b: {  	_ =	shalt  }
0x7c: {  	_ =	shalt  }
0x7d: {  	_ =	shalt  }
0x7e: {  	_ =	shalt  }
0x7f: {  	_ =	shalt  }
0x80: {  	_ =	shalt  }
0x81: {  	_ =	shalt  }
0x82: {  	_ =	shalt  }
0x83: {  	_ =	shalt  }
0x84: {  	_ =	shalt  }
0x85: {  	_ =	shalt  }
0x86: {  	_ =	shalt  }
0x87: {  	_ =	shalt  }
.Lfunc_end0:
.L_simem_size_0:
called_computation_lowered:
.L_overlay_start_0:
0x88: {  	s2 =	sld [smem:$0x3FD9]  }
0x89: {  	s3 =	sld [smem:$0x3FFE];
	_ =	sdelay $0x1  }
0x8a: {  	s1 =	srdreg.scid  }
0x8b: {  	s0 =	sand.u32 $0x1, s1  }
0x8c: {  	s18 =	sshll.u32 s0, $0xA;
	s2 =	sadd.s32 s3, s2  }
0x8d: {  	s2 =	sadd.s32 s2, s18  }
0x8e: {  	[smem:$0x3FC5] =	sst s2  }
0x8f: {  	_ = 	snop  }
0x90: {  	s2 =	sld [smem:$0x3FC9]  }
0x91: {  	s19 =	sld [smem:$0x3FC8]  }
0x92: {  	s4 =	sld [smem:$0x3FC7]  }
0x93: {  	s5 =	sld [smem:$0x3FD0];
	(tm) =	ssettm $0x1  }
0x94: {  	s6 =	sld [smem:$0x3FFB];
	_ =	sdelay $0x3  }
0x95: {  	_ =	strace s6  }
0x96: {  	s6 =	sld [smem:$0x3FFC];
	_ =	sdelay $0x3  }
0x97: {  	_ =	strace s6  }
0x98: {  	s6 =	sld [smem:$0x3FFD];
	_ =	sdelay $0x3  }
0x99: {  	_ =	strace s6  }
0x9a: {  	_ =	strace $0x8FFFFFFF  }
0x9b: {  	s20 =	sld [smem:$0x3FDB];
	_ =	sdelay $0x1  }
0x9c: {  	s7 =	simm.s32 $_scs_section_size  }
0x9d: {  	s8 =	simm.s32 $_size__tile_overlayer_lowered;
	s9 =	simm.s32 $_tile_overlayer_lowered  }
0x9e: {  	s23 =	simm.s32 $0x1BFF;
	s22 =	sshll.u32 s9, $0x1;
	s6 =	sadd.s32 s7, s20  }
0x9f: {  	s10 =	simm.s32 $0x0;
	s21 =	sshll.u32 s8, $0x1;
	s8 =	sadd.s32 s22, s6  }
0xa0: {  	[timem:s10], [sflag:s23] =	dma.local [hbm:s8], s21  }
0xa1: {  	_ =	swait.ge [sflag:s23], s21  }
0xa2: {  	s7 =	ssub.s32 $0x0, s21;
	[sflag:s23] =	ssyncset.done $0x0  }
0xa3: {  	[sflag:s23] =	ssyncadd.s32 s7;
	_ =	sdelay $0x1  }
0xa4: {  	s24 =	simm.s32 $0x1B8B  }
0xa5: {  	_ =	swait.ge [sflag:s24], $0x1  }
0xa6: {  	[sflag:s24] =	ssyncset.done $0x0  }
0xa7: {  	s25 =	simm.s32 $0x1B8E;
	[sflag:s24] =	ssyncadd.s32 $0xFFFFFFFF  }
0xa8: {  	s26 =	simm.s32 $execute0_lowered;
	[smem:$0x3FD2] =	sst s25  }
0xa9: {  	s7 =	sshll.u32 s26, $0x1;
	_ =	strace $0x80000046;
	[dreg:$0x1] =	wrdreg $0xFFFFFFFF  }
0xaa: {  	s28 =	simm.s32 $_size_execute0_lowered;
	s6 =	sadd.s32 s6, s7;
	[dreg:$0x0] =	wrdreg $0x0  }
0xab: {  	s7 =	sshll.u32 s28, $0x1;
	[dreg:$0x2] =	wrdreg s6  }
0xac: {  	[dreg:$0x3] =	wrdreg s7  }
0xad: {  	[dreg:$0x4] =	wrdreg $0xC0  }
0xae: {  	_ =	task [dreg:s10], $0x5FFFF  }
0xaf: {  	[dreg:$0x1] =	wrdreg $0xFFFFFFFF  }
0xb0: {  	[dreg:$0x0] =	wrdreg $0x60  }
0xb1: {  	[dreg:$0x2] =	wrdreg s2  }
0xb2: {  	[dreg:$0x3] =	wrdreg s19  }
0xb3: {  	[dreg:$0x4] =	wrdreg s4  }
0xb4: {  	[dreg:$0x5] =	wrdreg s5  }
0xb5: {  	[dreg:$0x6] =	wrdreg $0x0  }
0xb6: {  	[dreg:$0x7] =	wrdreg $0x9  }
0xb7: {  	_ =	task.clear_ibuf [dreg:s10], $0x8FFFF;
	_ =	strace $0x90000046  }
0xb8: {  	s29 =	simm.s32 $0x9;
	_ =	strace $0x80000048  }
0xb9: {  	_ =	swait.ge [sflag:s29], $0x1  }
0xba: {  	[sflag:s29] =	ssyncadd.s32 $0xFFFFFFFF  }
0xbb: {  	_ =	strace $0x90000048  }
0xbc: {  	_ =	sfence  }
0xbd: {  	s30 =	sld [smem:$0x0];
	_ =	sdelay $0x2  }
0xbe: {  	s31 =	sshll.u32 s1, $0xD;
	s1 =	sshrl.u32 s1, $0x2  }
0xbf: {  	s3 =	sand.u32 $0x4000, s31;
	s1 =	sadd.s32 s1, s30  }
0xc0: {  	s0 =	sor.u32 s3, s0;
	s1 =	sshll.u32 s1, $0x11  }
0xc1: {  	s0 =	sor.u32 s1, s0  }
0xc2: {  	s0 =	sadd.s32 $0x8F2B, s0  }
0xc3: {  	[sflag:s0] =	ssyncadd.remote.s32 $0x1  }
0xc4: {  	_ =	sfence.sel $0xFFFF  }
0xc5: {  	[dreg:$0x0] =	wrdreg $0xFFFFFFFF;
	(pc) =	sbr.abs _section_cstart, $3  }
0xc6: {  	[dreg:$0x1] =	wrdreg $0xFFFFFFFF  }
0xc7: {  	_ =	task.clear_ibuf [dreg:s10], $0x2FFFF;
	_ =	strace $0x9FFFFFFF  }
0xc8: {  	(tm) =	ssettm $0x7FFFFFFF  }
0xc9: {  	_ =	shalt  }
tec
execute0_lowered:
.L_overlay_start_1:
0x0: {  	(tag) =	ssettag $0x1  }
0x1: {  	s1 =	rddreg [dreg:$0x0]  }
0x2: {  	s2 =	rddreg [dreg:$0x1]  }
0x3: {  	s0 =	rddreg [dreg:$0x2]  }
0x4: {  	s3 =	rddreg [dreg:$0x3]  }
0x5: {  	s4 =	rddreg [dreg:$0x4];
	s6 =	simm.s32 $0x0;
	s5 =	srdreg.scid  }
0x6: {  	s12 =	stileid.u32;
	s28 =	simm.s32 $0x16F28;
	s29 =	simm.s32 $0x5  }
0x7: {  	s30 =	simm.s32 $0x3;
	s31 =	simm.s32 $0x2;
	[smem:$0x7FF] =	sst s6  }
0x8: {  	s5 =	sand.u32 $0x1, s5;
	s8 =	sshll.u32 s12, $0x1;
	s9 =	smul.u32 $0x61A8, s12  }
0x9: {  	p0 =	sgt.u32 s12, $0x7;
	s7 =	ssub.s32 $0x2, s5;
	_ =	strace $0x80000047  }
0xa: {  	s5 =	sor.u32 s5, s8;
	s8 =	simm.s32 $0x8;
	s10 =	sshrl.u32 s7, $0x1  }
0xb: {  	s18 =	sshrl.u32 s9, $0x3;
	s19 =	sadd.s32 $0x61A80, s9;
	s20 =	sadd.s32 $0xC3500, s9  }
0xc: {  	s9 =	sadd.s32 s9, s4;
	s17 =	ssub.s32 s7, s10;
	s7 =	smul.u32 $0x19000, s5  }
0xd: {  	s5 =	sadd.s32 s0, s18;
	[dreg:$0x7] =	wrdreg s9;
	s21 =	sshrl.u32 s19, $0x3  }
0xe: {  	s11 =	sshrl.u32 s20, $0x3;
	s22 =	sadd.s32 s20, s4;
	[dreg:$0x6] =	wrdreg s5  }
0xf: {  	s20 =	simm.s32 $0xF428;
	s9 =	sadd.s32 s0, s21;
	[dreg:$0xb] =	wrdreg s22  }
0x10: {  	s5 =	sadd.s32 s19, s4;
	s0 =	sadd.s32 s0, s11;
	[dreg:$0x8] =	wrdreg s9  }
0x11: {  	s19 =	smax.u32 s17, $0x1;
	s21 =	simm.s32 $0x9;
	[dreg:$0x9] =	wrdreg s5  }
0x12: {  	[dreg:$0xa] =	wrdreg s0;
	s23 =	sshrl.u32 s7, $0x3;
	s14 =	sadd.s32 $0x1900, s7  }
0x13: {  	s5 =	simm.s32 $0x6;
	s9 =	simm.s32 $0x0;
	s24 =	sadd.s32 s2, s23  }
0x14: {  	s0 =	sadd.s32 s1, s23;
	s25 =	sshrl.u32 s14, $0x3;
	[dreg:$0xc] =	wrdreg s24  }
0x15: {  	s23 =	simm.s32 $0x1900;
	[dreg:$0xd] =	wrdreg s0;
	s26 =	sadd.s32 s1, s25  }
0x16: {  	s18 =	sadd.s32 s2, s25;
	s24 =	simm.s32 $0x1BA28;
	s0 =	simm.s32 $0x1D328  }
0x17: {  	s25 =	simm.s32 $0x4;
	[dreg:$0xe] =	wrdreg s26;
	s26 =	simm.s32 $0x7  }
.LBB2_1:
0x18: {  	s10 =	rddreg [dreg:$0x6]  }
0x19: {  	[tilespmem:s20], [sflag:$0x9] =	stream.linear.gather [hbm4b:s10+s6], $0x61A8, $0x38;
	[tilespmem:$0x1EC28] =	vst v63  }
0x1a: {  	_ =	swait.ge [sflag:s21], $0x61A8  }
0x1b: {  	[sflag:s21] =	ssyncset.done $0x0  }
0x1c: {  	s17 =	rddreg [dreg:$0x7];
	[sflag:s21] =	ssyncadd.s32 $0xFFFF9E58  }
0x1d: {  	[spmem:s17] =	stream.linear.scatter [tilespmem:s20], [sflag:$0x9], $0x61A8, $0x38;
	[tilespmem:$0x1EC28] =	vst v63  }
0x1e: {  	_ =	swait.ge [sflag:s21], $0x61A8  }
0x1f: {  	[sflag:s21] =	ssyncset.done $0x0  }
0x20: {  	s22 =	rddreg [dreg:$0x8];
	[sflag:s21] =	ssyncadd.s32 $0xFFFF9E58  }
0x21: {  	[tilespmem:s20], [sflag:$0x9] =	stream.linear.gather [hbm4b:s22+s6], $0x61A8, $0x38;
	[tilespmem:$0x1EC28] =	vst v63  }
0x22: {  	_ =	swait.ge [sflag:s21], $0x61A8  }
0x23: {  	[sflag:s21] =	ssyncset.done $0x0  }
0x24: {  	s11 =	rddreg [dreg:$0x9];
	[sflag:s21] =	ssyncadd.s32 $0xFFFF9E58  }
0x25: {  	[spmem:s11] =	stream.linear.scatter [tilespmem:s20], [sflag:$0x9], $0x61A8, $0x38;
	[tilespmem:$0x1EC28] =	vst v63  }
0x26: {  	_ =	swait.ge [sflag:s21], $0x61A8  }
0x27: {  	s10 =	simm.s32 @!p0 $0x0;
	[sflag:s21] =	ssyncset.done $0x0  }
0x28: {  	s11 =	simm.s32 @!p0 $0xF428;
	s12 =	rddreg [dreg:$0xa];
	[sflag:s21] =	ssyncadd.s32 $0xFFFF9E58  }
0x29: {  	[tilespmem:s11], [sflag:$0x9] =	stream.linear.gather @!p0 [hbm4b:s12+s10], $0x61A8, $0x38;
	[tilespmem:$0x1EC28] =	vst v63  }
0x2a: {  	s10 =	simm.s32 @!p0 $0x9  }
0x2b: {  	_ =	swait.ge @!p0 [sflag:s10], $0x61A8  }
0x2c: {  	[sflag:s10] =	ssyncset.done @!p0 $0x0  }
0x2d: {  	s12 =	rddreg [dreg:$0xb];
	[sflag:s10] =	ssyncadd.s32 @!p0 $0xFFFF9E58  }
0x2e: {  	[spmem:s12] =	stream.linear.scatter @!p0 [tilespmem:s11], [sflag:$0x9], $0x61A8, $0x38;
	[tilespmem:$0x1EC28] =	vst v63  }
0x2f: {  	_ =	swait.ge @!p0 [sflag:s10], $0x61A8  }
0x30: {  	[sflag:s10] =	ssyncset.done @!p0 $0x0  }
0x31: {  	[sflag:s10] =	ssyncadd.s32 @!p0 $0xFFFF9E58  }
0x32: {  	[bflag:$0x0] =	sbarrier.arrive $0xFFFF  }
0x33: {  	s13 =	simm.s32 $0x15628;
	s12 =	rddreg [dreg:$0xc]  }
0x34: {  	[tilespmem:s13], [sflag:$0x9] =	stream.linear.gather [hbm4b:s12+s6], $0x1900, $0x38;
	[tilespmem:$0x1EC28] =	vst v63  }
0x35: {  	_ =	swait.ge [sflag:s21], $0x1900  }
0x36: {  	[sflag:s21] =	ssyncset.done $0x0  }
0x37: {  	[sflag:s21] =	ssyncadd.s32 $0xFFFFE700  }
0x38: {  	[tilespmem:s24], [sflag:$0x5] =	stream.indirect.gather [spmem:s4], $0x1, s13, s23, $0xb8;
	[tilespmem:$0x1EC28] =	vst v63  }
0x39: {  	s16 =	simm.s32 $0x18828;
	s15 =	rddreg [dreg:$0xd]  }
0x3a: {  	[tilespmem:s16], [sflag:$0x3] =	stream.linear.gather [hbm4b:s15+s6], $0x1900, $0x38;
	[tilespmem:$0x1EC28] =	vst v63  }
0x3b: {  	s22 =	simm.s32 $0x1A128;
	s17 =	rddreg [dreg:$0xe]  }
0x3c: {  	[tilespmem:s22], [sflag:$0x4] =	stream.linear.gather [hbm4b:s17+s6], $0x1900, $0x38;
	[tilespmem:$0x1EC28] =	vst v63  }
0x3d: {  	s10 =	simm.s32 $0x0  }
0x3e: {  	[tilespmem:s28], [sflag:$0x2] =	stream.linear.gather [hbm4b:s18+s6], $0x1900, $0x38;
	[tilespmem:$0x1EC28] =	vst v63  }
.LBB2_2:
0x3f: {  	_ =	swait.ge [sflag:s29], $0x1900;
	s11 =	smul.u32 $0x3200, s10  }
0x40: {  	p1 =	seq.s32 s10, $0x7;
	[sflag:s29] =	ssyncset.done $0x0  }
0x41: {  	s16 =	simm.s32 @!p1 $0x0;
	[sflag:s29] =	ssyncadd.s32 $0xFFFFE700;
	s12 =	sadd.s32 s7, s11  }
0x42: {  	s17 =	simm.s32 @!p1 $0x15628;
	_ =	swait.ge [sflag:s30], $0x1900;
	s13 =	sshrl.u32 @!p1 s12, $0x3  }
0x43: {  	p2 =	seq.s32 @!p1 s10, $0x0;
	[sflag:s30] =	ssyncset.done $0x0;
	s15 =	sadd.s32 @!p1 s2, s13  }
0x44: {  	p2 =	por p1, !p2;
	[sflag:s30] =	ssyncadd.s32 $0xFFFFE700;
	s15 =	sadd.s32 @!p1 $0x640, s15  }
0x45: {  	[tilespmem:s17], [sflag:$0x1] =	stream.linear.gather @!p1 [hbm4b:s15+s16], $0x1900, $0x38;
	[tilespmem:$0x1EC28] =	vst v63  }
0x46: {  	_ =	swait.ge @p2 [sflag:s8], $0x1900  }
0x47: {  	[sflag:s8] =	ssyncset.done @p2 $0x0  }
0x48: {  	[sflag:s8] =	ssyncadd.s32 @p2 $0xFFFFE700  }
0x49: {  	_ =	swait.ge [sflag:s31], $0x1900  }
0x4a: {  	[sflag:s31] =	ssyncset.done $0x0  }
0x4b: {  	s22 =	simm.s32 $0x1BAA8;
	[sflag:s31] =	ssyncadd.s32 $0xFFFFE700  }
0x4c: {  	[tilespmem:s0], [sflag:$0x6] =	stream.indirect.gather [spmem:s4], $0x1, s28, s23, $0xb8;
	[tilespmem:$0x1EC28] =	vst v63  }
0x4d: {  	s15 =	simm.s32 $0x188A8;
	v0 =	vld [tilespmem:s22+$0xFFFFFF80]  }
0x4e: {  	v1 =	vld [tilespmem:s15+$0xFFFFFF80];
	_ =	sdelay $0x4  }
0x4f: {  	v0 =	vmul.f32 v1, v0;
	_ =	sdelay $0x1  }
0x50: {  	[tilespmem:s22+$0xFFFFFF80] =	vst v0;
	v0 =	vld [tilespmem:s22+$0xFFFFFF90]  }
0x51: {  	v1 =	vld [tilespmem:s15+$0xFFFFFF90];
	_ =	sdelay $0x4  }
0x52: {  	v0 =	vmul.f32 v1, v0;
	_ =	sdelay $0x1  }
0x53: {  	[tilespmem:s22+$0xFFFFFF90] =	vst v0;
	v0 =	vld [tilespmem:s22+$0xFFFFFFA0]  }
0x54: {  	v1 =	vld [tilespmem:s15+$0xFFFFFFA0];
	_ =	sdelay $0x4  }
0x55: {  	v0 =	vmul.f32 v1, v0;
	_ =	sdelay $0x1  }
0x56: {  	[tilespmem:s22+$0xFFFFFFA0] =	vst v0;
	v0 =	vld [tilespmem:s22+$0xFFFFFFB0]  }
0x57: {  	v1 =	vld [tilespmem:s15+$0xFFFFFFB0];
	_ =	sdelay $0x4  }
0x58: {  	v0 =	vmul.f32 v1, v0;
	_ =	sdelay $0x1  }
0x59: {  	[tilespmem:s22+$0xFFFFFFB0] =	vst v0;
	v0 =	vld [tilespmem:s22+$0xFFFFFFC0]  }
0x5a: {  	v1 =	vld [tilespmem:s15+$0xFFFFFFC0];
	_ =	sdelay $0x4  }
0x5b: {  	v0 =	vmul.f32 v1, v0;
	_ =	sdelay $0x1  }
0x5c: {  	[tilespmem:s22+$0xFFFFFFC0] =	vst v0;
	v0 =	vld [tilespmem:s22+$0xFFFFFFD0]  }
0x5d: {  	v1 =	vld [tilespmem:s15+$0xFFFFFFD0];
	_ =	sdelay $0x4  }
0x5e: {  	v0 =	vmul.f32 v1, v0;
	_ =	sdelay $0x1  }
0x5f: {  	[tilespmem:s22+$0xFFFFFFD0] =	vst v0;
	v0 =	vld [tilespmem:s22+$0xFFFFFFE0]  }
0x60: {  	v1 =	vld [tilespmem:s15+$0xFFFFFFE0];
	_ =	sdelay $0x4  }
0x61: {  	v0 =	vmul.f32 v1, v0;
	_ =	sdelay $0x1  }
0x62: {  	[tilespmem:s22+$0xFFFFFFE0] =	vst v0;
	v0 =	vld [tilespmem:s22+$0xFFFFFFF0]  }
0x63: {  	v1 =	vld [tilespmem:s15+$0xFFFFFFF0];
	_ =	sdelay $0x4  }
0x64: {  	v0 =	vmul.f32 v1, v0;
	_ =	sdelay $0x1  }
0x65: {  	[tilespmem:s22+$0xFFFFFFF0] =	vst v0;
	v0 =	vld [tilespmem:s22+$0x0]  }
0x66: {  	v1 =	vld [tilespmem:s15+$0x0];
	_ =	sdelay $0x4  }
0x67: {  	v0 =	vmul.f32 v1, v0;
	_ =	sdelay $0x1  }
0x68: {  	[tilespmem:s22+$0x0] =	vst v0;
	v0 =	vld [tilespmem:s22+$0x10]  }
0x69: {  	v1 =	vld [tilespmem:s15+$0x10];
	_ =	sdelay $0x4  }
0x6a: {  	v0 =	vmul.f32 v1, v0;
	_ =	sdelay $0x1  }
0x6b: {  	[tilespmem:s22+$0x10] =	vst v0;
	v0 =	vld [tilespmem:s22+$0x20]  }
0x6c: {  	v1 =	vld [tilespmem:s15+$0x20];
	_ =	sdelay $0x4  }
0x6d: {  	v0 =	vmul.f32 v1, v0;
	_ =	sdelay $0x1  }
0x6e: {  	[tilespmem:s22+$0x20] =	vst v0;
	v0 =	vld [tilespmem:s22+$0x30]  }
0x6f: {  	v1 =	vld [tilespmem:s15+$0x30];
	_ =	sdelay $0x4  }
0x70: {  	v0 =	vmul.f32 v1, v0;
	_ =	sdelay $0x1  }
0x71: {  	[tilespmem:s22+$0x30] =	vst v0;
	v0 =	vld [tilespmem:s22+$0x40]  }
0x72: {  	v1 =	vld [tilespmem:s15+$0x40];
	_ =	sdelay $0x4  }
0x73: {  	v0 =	vmul.f32 v1, v0;
	_ =	sdelay $0x1  }
0x74: {  	[tilespmem:s22+$0x40] =	vst v0;
	v0 =	vld [tilespmem:s22+$0x50]  }
0x75: {  	v1 =	vld [tilespmem:s15+$0x50];
	_ =	sdelay $0x4  }
0x76: {  	v0 =	vmul.f32 v1, v0;
	_ =	sdelay $0x1  }
0x77: {  	[tilespmem:s22+$0x50] =	vst v0;
	v0 =	vld [tilespmem:s22+$0x60]  }
0x78: {  	v1 =	vld [tilespmem:s15+$0x60];
	_ =	sdelay $0x4  }
0x79: {  	v0 =	vmul.f32 v1, v0;
	_ =	sdelay $0x1  }
0x7a: {  	[tilespmem:s22+$0x60] =	vst v0;
	v0 =	vld [tilespmem:s22+$0x70]  }
0x7b: {  	v1 =	vld [tilespmem:s15+$0x70];
	_ =	sdelay $0x4  }
0x7c: {  	v0 =	vmul.f32 v1, v0  }
0x7d: {  	s16 =	simm.s32 $0x0;
	s17 =	simm.s32 $0x1BBA8  }
.LBB2_3:
0x7e: {  	v1 =	vld [tilespmem:s17+$0xFFFFFF80];
	[tilespmem:s22+$0x70] =	vst v0;
	s15 =	sadd.s32 $0x100, s15;
	s22 =	smov.u32 s17  }
0x7f: {  	s16 =	sadd.s32 $0x10, s16;
	v0 =	vld [tilespmem:s15+$0xFFFFFF80]  }
0x80: {  	p2 =	slt.u32 s16, $0x180;
	_ =	sdelay $0x3  }
0x81: {  	v0 =	vmul.f32 v0, v1;
	_ =	sdelay $0x1  }
0x82: {  	[tilespmem:s17+$0xFFFFFF80] =	vst v0;
	v0 =	vld [tilespmem:s17+$0xFFFFFF90]  }
0x83: {  	v1 =	vld [tilespmem:s15+$0xFFFFFF90];
	_ =	sdelay $0x4  }
0x84: {  	v0 =	vmul.f32 v1, v0;
	_ =	sdelay $0x1  }
0x85: {  	[tilespmem:s17+$0xFFFFFF90] =	vst v0;
	v0 =	vld [tilespmem:s17+$0xFFFFFFA0]  }
0x86: {  	v1 =	vld [tilespmem:s15+$0xFFFFFFA0];
	_ =	sdelay $0x4  }
0x87: {  	v0 =	vmul.f32 v1, v0;
	_ =	sdelay $0x1  }
0x88: {  	[tilespmem:s17+$0xFFFFFFA0] =	vst v0;
	v0 =	vld [tilespmem:s17+$0xFFFFFFB0]  }
0x89: {  	v1 =	vld [tilespmem:s15+$0xFFFFFFB0];
	_ =	sdelay $0x4  }
0x8a: {  	v0 =	vmul.f32 v1, v0;
	_ =	sdelay $0x1  }
0x8b: {  	[tilespmem:s17+$0xFFFFFFB0] =	vst v0;
	v0 =	vld [tilespmem:s17+$0xFFFFFFC0]  }
0x8c: {  	v1 =	vld [tilespmem:s15+$0xFFFFFFC0];
	_ =	sdelay $0x4  }
0x8d: {  	v0 =	vmul.f32 v1, v0;
	_ =	sdelay $0x1  }
0x8e: {  	[tilespmem:s17+$0xFFFFFFC0] =	vst v0;
	v0 =	vld [tilespmem:s17+$0xFFFFFFD0]  }
0x8f: {  	v1 =	vld [tilespmem:s15+$0xFFFFFFD0];
	_ =	sdelay $0x4  }
0x90: {  	v0 =	vmul.f32 v1, v0;
	_ =	sdelay $0x1  }
0x91: {  	[tilespmem:s17+$0xFFFFFFD0] =	vst v0;
	v0 =	vld [tilespmem:s17+$0xFFFFFFE0]  }
0x92: {  	v1 =	vld [tilespmem:s15+$0xFFFFFFE0];
	_ =	sdelay $0x4  }
0x93: {  	v0 =	vmul.f32 v1, v0;
	_ =	sdelay $0x1  }
0x94: {  	[tilespmem:s17+$0xFFFFFFE0] =	vst v0;
	v0 =	vld [tilespmem:s17+$0xFFFFFFF0]  }
0x95: {  	v1 =	vld [tilespmem:s15+$0xFFFFFFF0];
	_ =	sdelay $0x4  }
0x96: {  	v0 =	vmul.f32 v1, v0;
	_ =	sdelay $0x1  }
0x97: {  	[tilespmem:s17+$0xFFFFFFF0] =	vst v0;
	v0 =	vld [tilespmem:s17+$0x0]  }
0x98: {  	v1 =	vld [tilespmem:s15+$0x0];
	_ =	sdelay $0x4  }
0x99: {  	v0 =	vmul.f32 v1, v0;
	_ =	sdelay $0x1  }
0x9a: {  	[tilespmem:s17+$0x0] =	vst v0;
	v0 =	vld [tilespmem:s17+$0x10]  }
0x9b: {  	v1 =	vld [tilespmem:s15+$0x10];
	_ =	sdelay $0x4  }
0x9c: {  	v0 =	vmul.f32 v1, v0;
	_ =	sdelay $0x1  }
0x9d: {  	[tilespmem:s17+$0x10] =	vst v0;
	v0 =	vld [tilespmem:s17+$0x20]  }
0x9e: {  	v1 =	vld [tilespmem:s15+$0x20];
	_ =	sdelay $0x4  }
0x9f: {  	v0 =	vmul.f32 v1, v0;
	_ =	sdelay $0x1  }
0xa0: {  	[tilespmem:s17+$0x20] =	vst v0;
	v0 =	vld [tilespmem:s17+$0x30]  }
0xa1: {  	v1 =	vld [tilespmem:s15+$0x30];
	_ =	sdelay $0x4  }
0xa2: {  	v0 =	vmul.f32 v1, v0;
	_ =	sdelay $0x1  }
0xa3: {  	[tilespmem:s17+$0x30] =	vst v0;
	v0 =	vld [tilespmem:s17+$0x40]  }
0xa4: {  	v1 =	vld [tilespmem:s15+$0x40];
	_ =	sdelay $0x4  }
0xa5: {  	v0 =	vmul.f32 v1, v0;
	_ =	sdelay $0x1  }
0xa6: {  	[tilespmem:s17+$0x40] =	vst v0;
	v0 =	vld [tilespmem:s17+$0x50]  }
0xa7: {  	v1 =	vld [tilespmem:s15+$0x50];
	_ =	sdelay $0x4  }
0xa8: {  	v0 =	vmul.f32 v1, v0;
	_ =	sdelay $0x1  }
0xa9: {  	[tilespmem:s17+$0x50] =	vst v0;
	v0 =	vld [tilespmem:s17+$0x60]  }
0xaa: {  	v1 =	vld [tilespmem:s15+$0x60];
	_ =	sdelay $0x4  }
0xab: {  	v0 =	vmul.f32 v1, v0;
	_ =	sdelay $0x1  }
0xac: {  	[tilespmem:s17+$0x60] =	vst v0;
	v0 =	vld [tilespmem:s17+$0x70]  }
0xad: {  	v1 =	vld [tilespmem:s15+$0x70];
	_ =	sdelay $0x1  }
.Ltmp0:
0xae: {  	(pc) =	sbr.rel @p2 .LBB2_3-.Ltmp0, $3  }
0xaf: {  	_ =	sdelay $0x1  }
0xb0: {  	v0 =	vmul.f32 v1, v0  }
0xb1: {  	s17 =	sadd.s32 $0x100, s17  }
0xb2: {  	s13 =	sadd.s32 @!p1 s1, s13;
	s15 =	simm.s32 @!p1 $0x0  }
0xb3: {  	[tilespmem:s22+$0x70] =	vst v0;
	s16 =	simm.s32 @!p1 $0x18828;
	s12 =	sshrl.u32 s12, $0x3;
	s13 =	sadd.s32 @!p1 $0x640, s13  }
0xb4: {  	[tilespmem:s16], [sflag:$0x3] =	stream.linear.gather @!p1 [hbm4b:s13+s15], $0x1900, $0x38;
	[tilespmem:$0x1EC28] =	vst v63  }
0xb5: {  	s12 =	sadd.s32 s3, s12  }
0xb6: {  	[hbm4b:s12+s6] =	stream.linear.scatter [tilespmem:s24], [sflag:$0x7], $0x1900, $0x38;
	[tilespmem:$0x1EC28] =	vst v63  }
0xb7: {  	_ =	swait.ge [sflag:s5], $0x1900  }
0xb8: {  	[sflag:s5] =	ssyncset.done $0x0  }
0xb9: {  	s11 =	sadd.s32 s11, s14;
	[sflag:s5] =	ssyncadd.s32 $0xFFFFE700  }
0xba: {  	s12 =	sshrl.u32 @!p1 s11, $0x3;
	_ =	swait.ge [sflag:s25], $0x1900  }
0xbb: {  	s13 =	sadd.s32 @!p1 s2, s12;
	[sflag:s25] =	ssyncset.done $0x0  }
0xbc: {  	s16 =	simm.s32 @!p1 $0x16F28;
	s13 =	sadd.s32 @!p1 $0x640, s13;
	[sflag:s25] =	ssyncadd.s32 $0xFFFFE700  }
0xbd: {  	[tilespmem:s16], [sflag:$0x2] =	stream.linear.gather @!p1 [hbm4b:s13+s15], $0x1900, $0x38;
	[tilespmem:$0x1EC28] =	vst v63  }
0xbe: {  	s13 =	simm.s32 @!p1 $0x7  }
0xbf: {  	_ =	swait.ge @!p1 [sflag:s13], $0x1900  }
0xc0: {  	[sflag:s13] =	ssyncset.done @!p1 $0x0  }
0xc1: {  	[sflag:s13] =	ssyncadd.s32 @!p1 $0xFFFFE700;
	s13 =	simm.s32 @!p1 $0x1  }
0xc2: {  	_ =	swait.ge @!p1 [sflag:s13], $0x1900  }
0xc3: {  	s15 =	simm.s32 @!p1 $0x15628;
	[sflag:s13] =	ssyncset.done @!p1 $0x0  }
0xc4: {  	s16 =	simm.s32 @!p1 $0x1BA28;
	[sflag:s13] =	ssyncadd.s32 @!p1 $0xFFFFE700;
	s13 =	simm.s32 @!p1 $0x1900  }
0xc5: {  	[tilespmem:s16], [sflag:$0x5] =	stream.indirect.gather @!p1 [spmem:s4], $0x1, s15, s13, $0xb8;
	[tilespmem:$0x1EC28] =	vst v63  }
0xc6: {  	s13 =	simm.s32 $0x1D3A8  }
0xc7: {  	s15 =	simm.s32 $0x1A1A8;
	v0 =	vld [tilespmem:s13+$0xFFFFFF80]  }
0xc8: {  	v1 =	vld [tilespmem:s15+$0xFFFFFF80];
	_ =	sdelay $0x4  }
0xc9: {  	v0 =	vmul.f32 v1, v0;
	_ =	sdelay $0x1  }
0xca: {  	[tilespmem:s13+$0xFFFFFF80] =	vst v0;
	v0 =	vld [tilespmem:s13+$0xFFFFFF90]  }
0xcb: {  	v1 =	vld [tilespmem:s15+$0xFFFFFF90];
	_ =	sdelay $0x4  }
0xcc: {  	v0 =	vmul.f32 v1, v0;
	_ =	sdelay $0x1  }
0xcd: {  	[tilespmem:s13+$0xFFFFFF90] =	vst v0;
	v0 =	vld [tilespmem:s13+$0xFFFFFFA0]  }
0xce: {  	v1 =	vld [tilespmem:s15+$0xFFFFFFA0];
	_ =	sdelay $0x4  }
0xcf: {  	v0 =	vmul.f32 v1, v0;
	_ =	sdelay $0x1  }
0xd0: {  	[tilespmem:s13+$0xFFFFFFA0] =	vst v0;
	v0 =	vld [tilespmem:s13+$0xFFFFFFB0]  }
0xd1: {  	v1 =	vld [tilespmem:s15+$0xFFFFFFB0];
	_ =	sdelay $0x4  }
0xd2: {  	v0 =	vmul.f32 v1, v0;
	_ =	sdelay $0x1  }
0xd3: {  	[tilespmem:s13+$0xFFFFFFB0] =	vst v0;
	v0 =	vld [tilespmem:s13+$0xFFFFFFC0]  }
0xd4: {  	v1 =	vld [tilespmem:s15+$0xFFFFFFC0];
	_ =	sdelay $0x4  }
0xd5: {  	v0 =	vmul.f32 v1, v0;
	_ =	sdelay $0x1  }
0xd6: {  	[tilespmem:s13+$0xFFFFFFC0] =	vst v0;
	v0 =	vld [tilespmem:s13+$0xFFFFFFD0]  }
0xd7: {  	v1 =	vld [tilespmem:s15+$0xFFFFFFD0];
	_ =	sdelay $0x4  }
0xd8: {  	v0 =	vmul.f32 v1, v0;
	_ =	sdelay $0x1  }
0xd9: {  	[tilespmem:s13+$0xFFFFFFD0] =	vst v0;
	v0 =	vld [tilespmem:s13+$0xFFFFFFE0]  }
0xda: {  	v1 =	vld [tilespmem:s15+$0xFFFFFFE0];
	_ =	sdelay $0x4  }
0xdb: {  	v0 =	vmul.f32 v1, v0;
	_ =	sdelay $0x1  }
0xdc: {  	[tilespmem:s13+$0xFFFFFFE0] =	vst v0;
	v0 =	vld [tilespmem:s13+$0xFFFFFFF0]  }
0xdd: {  	v1 =	vld [tilespmem:s15+$0xFFFFFFF0];
	_ =	sdelay $0x4  }
0xde: {  	v0 =	vmul.f32 v1, v0;
	_ =	sdelay $0x1  }
0xdf: {  	[tilespmem:s13+$0xFFFFFFF0] =	vst v0;
	v0 =	vld [tilespmem:s13+$0x0]  }
0xe0: {  	v1 =	vld [tilespmem:s15+$0x0];
	_ =	sdelay $0x4  }
0xe1: {  	v0 =	vmul.f32 v1, v0;
	_ =	sdelay $0x1  }
0xe2: {  	[tilespmem:s13+$0x0] =	vst v0;
	v0 =	vld [tilespmem:s13+$0x10]  }
0xe3: {  	v1 =	vld [tilespmem:s15+$0x10];
	_ =	sdelay $0x4  }
0xe4: {  	v0 =	vmul.f32 v1, v0;
	_ =	sdelay $0x1  }
0xe5: {  	[tilespmem:s13+$0x10] =	vst v0;
	v0 =	vld [tilespmem:s13+$0x20]  }
0xe6: {  	v1 =	vld [tilespmem:s15+$0x20];
	_ =	sdelay $0x4  }
0xe7: {  	v0 =	vmul.f32 v1, v0;
	_ =	sdelay $0x1  }
0xe8: {  	[tilespmem:s13+$0x20] =	vst v0;
	v0 =	vld [tilespmem:s13+$0x30]  }
0xe9: {  	v1 =	vld [tilespmem:s15+$0x30];
	_ =	sdelay $0x4  }
0xea: {  	v0 =	vmul.f32 v1, v0;
	_ =	sdelay $0x1  }
0xeb: {  	[tilespmem:s13+$0x30] =	vst v0;
	v0 =	vld [tilespmem:s13+$0x40]  }
0xec: {  	v1 =	vld [tilespmem:s15+$0x40];
	_ =	sdelay $0x4  }
0xed: {  	v0 =	vmul.f32 v1, v0;
	_ =	sdelay $0x1  }
0xee: {  	[tilespmem:s13+$0x40] =	vst v0;
	v0 =	vld [tilespmem:s13+$0x50]  }
0xef: {  	v1 =	vld [tilespmem:s15+$0x50];
	_ =	sdelay $0x4  }
0xf0: {  	v0 =	vmul.f32 v1, v0;
	_ =	sdelay $0x1  }
0xf1: {  	[tilespmem:s13+$0x50] =	vst v0;
	v0 =	vld [tilespmem:s13+$0x60]  }
0xf2: {  	v1 =	vld [tilespmem:s15+$0x60];
	_ =	sdelay $0x4  }
0xf3: {  	v0 =	vmul.f32 v1, v0;
	_ =	sdelay $0x1  }
0xf4: {  	[tilespmem:s13+$0x60] =	vst v0;
	v0 =	vld [tilespmem:s13+$0x70]  }
0xf5: {  	v1 =	vld [tilespmem:s15+$0x70];
	_ =	sdelay $0x4  }
0xf6: {  	v0 =	vmul.f32 v1, v0  }
0xf7: {  	s17 =	simm.s32 $0x1D4A8;
	s16 =	simm.s32 $0x0  }
.LBB2_5:
0xf8: {  	v1 =	vld [tilespmem:s17+$0xFFFFFF80];
	[tilespmem:s13+$0x70] =	vst v0;
	s15 =	sadd.s32 $0x100, s15;
	s13 =	smov.u32 s17  }
0xf9: {  	s16 =	sadd.s32 $0x10, s16;
	v0 =	vld [tilespmem:s15+$0xFFFFFF80]  }
0xfa: {  	p2 =	slt.u32 s16, $0x180;
	_ =	sdelay $0x3  }
0xfb: {  	v0 =	vmul.f32 v0, v1;
	_ =	sdelay $0x1  }
0xfc: {  	[tilespmem:s17+$0xFFFFFF80] =	vst v0;
	v0 =	vld [tilespmem:s17+$0xFFFFFF90]  }
0xfd: {  	v1 =	vld [tilespmem:s15+$0xFFFFFF90];
	_ =	sdelay $0x4  }
0xfe: {  	v0 =	vmul.f32 v1, v0;
	_ =	sdelay $0x1  }
0xff: {  	[tilespmem:s17+$0xFFFFFF90] =	vst v0;
	v0 =	vld [tilespmem:s17+$0xFFFFFFA0]  }
0x100: {  	v1 =	vld [tilespmem:s15+$0xFFFFFFA0];
	_ =	sdelay $0x4  }
0x101: {  	v0 =	vmul.f32 v1, v0;
	_ =	sdelay $0x1  }
0x102: {  	[tilespmem:s17+$0xFFFFFFA0] =	vst v0;
	v0 =	vld [tilespmem:s17+$0xFFFFFFB0]  }
0x103: {  	v1 =	vld [tilespmem:s15+$0xFFFFFFB0];
	_ =	sdelay $0x4  }
0x104: {  	v0 =	vmul.f32 v1, v0;
	_ =	sdelay $0x1  }
0x105: {  	[tilespmem:s17+$0xFFFFFFB0] =	vst v0;
	v0 =	vld [tilespmem:s17+$0xFFFFFFC0]  }
0x106: {  	v1 =	vld [tilespmem:s15+$0xFFFFFFC0];
	_ =	sdelay $0x4  }
0x107: {  	v0 =	vmul.f32 v1, v0;
	_ =	sdelay $0x1  }
0x108: {  	[tilespmem:s17+$0xFFFFFFC0] =	vst v0;
	v0 =	vld [tilespmem:s17+$0xFFFFFFD0]  }
0x109: {  	v1 =	vld [tilespmem:s15+$0xFFFFFFD0];
	_ =	sdelay $0x4  }
0x10a: {  	v0 =	vmul.f32 v1, v0;
	_ =	sdelay $0x1  }
0x10b: {  	[tilespmem:s17+$0xFFFFFFD0] =	vst v0;
	v0 =	vld [tilespmem:s17+$0xFFFFFFE0]  }
0x10c: {  	v1 =	vld [tilespmem:s15+$0xFFFFFFE0];
	_ =	sdelay $0x4  }
0x10d: {  	v0 =	vmul.f32 v1, v0;
	_ =	sdelay $0x1  }
0x10e: {  	[tilespmem:s17+$0xFFFFFFE0] =	vst v0;
	v0 =	vld [tilespmem:s17+$0xFFFFFFF0]  }
0x10f: {  	v1 =	vld [tilespmem:s15+$0xFFFFFFF0];
	_ =	sdelay $0x4  }
0x110: {  	v0 =	vmul.f32 v1, v0;
	_ =	sdelay $0x1  }
0x111: {  	[tilespmem:s17+$0xFFFFFFF0] =	vst v0;
	v0 =	vld [tilespmem:s17+$0x0]  }
0x112: {  	v1 =	vld [tilespmem:s15+$0x0];
	_ =	sdelay $0x4  }
0x113: {  	v0 =	vmul.f32 v1, v0;
	_ =	sdelay $0x1  }
0x114: {  	[tilespmem:s17+$0x0] =	vst v0;
	v0 =	vld [tilespmem:s17+$0x10]  }
0x115: {  	v1 =	vld [tilespmem:s15+$0x10];
	_ =	sdelay $0x4  }
0x116: {  	v0 =	vmul.f32 v1, v0;
	_ =	sdelay $0x1  }
0x117: {  	[tilespmem:s17+$0x10] =	vst v0;
	v0 =	vld [tilespmem:s17+$0x20]  }
0x118: {  	v1 =	vld [tilespmem:s15+$0x20];
	_ =	sdelay $0x4  }
0x119: {  	v0 =	vmul.f32 v1, v0;
	_ =	sdelay $0x1  }
0x11a: {  	[tilespmem:s17+$0x20] =	vst v0;
	v0 =	vld [tilespmem:s17+$0x30]  }
0x11b: {  	v1 =	vld [tilespmem:s15+$0x30];
	_ =	sdelay $0x4  }
0x11c: {  	v0 =	vmul.f32 v1, v0;
	_ =	sdelay $0x1  }
0x11d: {  	[tilespmem:s17+$0x30] =	vst v0;
	v0 =	vld [tilespmem:s17+$0x40]  }
0x11e: {  	v1 =	vld [tilespmem:s15+$0x40];
	_ =	sdelay $0x4  }
0x11f: {  	v0 =	vmul.f32 v1, v0;
	_ =	sdelay $0x1  }
0x120: {  	[tilespmem:s17+$0x40] =	vst v0;
	v0 =	vld [tilespmem:s17+$0x50]  }
0x121: {  	v1 =	vld [tilespmem:s15+$0x50];
	_ =	sdelay $0x4  }
0x122: {  	v0 =	vmul.f32 v1, v0;
	_ =	sdelay $0x1  }
0x123: {  	[tilespmem:s17+$0x50] =	vst v0;
	v0 =	vld [tilespmem:s17+$0x60]  }
0x124: {  	v1 =	vld [tilespmem:s15+$0x60];
	_ =	sdelay $0x4  }
0x125: {  	v0 =	vmul.f32 v1, v0;
	_ =	sdelay $0x1  }
0x126: {  	[tilespmem:s17+$0x60] =	vst v0;
	v0 =	vld [tilespmem:s17+$0x70]  }
0x127: {  	v1 =	vld [tilespmem:s15+$0x70];
	_ =	sdelay $0x1  }
.Ltmp1:
0x128: {  	(pc) =	sbr.rel @p2 .LBB2_5-.Ltmp1, $3  }
0x129: {  	_ =	sdelay $0x1  }
0x12a: {  	v0 =	vmul.f32 v1, v0  }
0x12b: {  	s17 =	sadd.s32 $0x100, s17  }
0x12c: {  	s12 =	sadd.s32 @!p1 s1, s12;
	[tilespmem:s13+$0x70] =	vst v0;
	s13 =	simm.s32 @!p1 $0x0  }
0x12d: {  	s15 =	simm.s32 @!p1 $0x1A128;
	s10 =	sadd.s32 $0x1, s10;
	s12 =	sadd.s32 @!p1 $0x640, s12  }
0x12e: {  	[tilespmem:s15], [sflag:$0x4] =	stream.linear.gather @!p1 [hbm4b:s12+s13], $0x1900, $0x38;
	[tilespmem:$0x1EC28] =	vst v63  }
0x12f: {  	p1 =	sne.s32 s10, $0x8  }
.Ltmp2:
0x130: {  	_ = 	snop;
	(pc) =	sbr.rel @p1 .LBB2_2-.Ltmp2, $4  }
0x131: {  	_ = 	snop  }
0x132: {  	s11 =	sshrl.u32 s11, $0x3  }
0x133: {  	s11 =	sadd.s32 s3, s11  }
0x134: {  	[hbm4b:s11+s6] =	stream.linear.scatter [tilespmem:s0], [sflag:$0x8], $0x1900, $0x38;
	[tilespmem:$0x1EC28] =	vst v63  }
0x135: {  	s9 =	sadd.s32 $0x1, s9  }
0x136: {  	_ =	swait.ge [sflag:s26], $0x1900;
	p1 =	sne.s32 s9, s19  }
.Ltmp3:
0x137: {  	[sflag:s26] =	ssyncset.done $0x0;
	(pc) =	sbr.rel @p1 .LBB2_1-.Ltmp3, $4  }
0x138: {  	[sflag:s26] =	ssyncadd.s32 $0xFFFFE700  }
0x139: {  	_ =	swait.ge [sflag:s8], $0x1900  }
0x13a: {  	[sflag:s8] =	ssyncset.done $0x0  }
0x13b: {  	[sflag:s8] =	ssyncadd.s32 $0xFFFFE700  }
0x13c: {  	_ =	sfence.sel $0x180000  }
0x13d: {  	[bflag:$0x0] =	sbarrier.arrive $0xFFFF  }
0x13e: {  	_ =	strace $0x90000047  }
0x13f: {  	s0 =	stileid.u32;
	[bflag:$0x2] =	sbarrier.arrive $0xFFFF  }
0x140: {  	p0 =	sne.s32 s0, $0x0;
	s0 =	rddreg [dreg:$0x5]  }
0x141: {  	s0 =	sadd.s32 @!p0 $0x100000, s0  }
0x142: {  	[sflag:s0] =	ssyncadd.tile.s32 @!p0 $0x1;
	_ =	shalt  }
.Lfunc_end2:
_tile_overlayer_lowered:
.L_overlay_start_2:
0x143: {  	(tag) =	ssettag $0x2  }
0x144: {  	s0 =	rddreg [dreg:$0x0];
	s2 =	stileid.u32  }
0x145: {  	s1 =	rddreg [dreg:$0x1];
	p0 =	sne.s32 s2, $0x0  }
0x146: {  	s3 =	rddreg [dreg:$0x2];
	[bflag:$0x3] =	sbarrier.arrive $0xFFFF;
	s2 =	simm.s32 @!p0 $0x1C09  }
0x147: {  	[timem:s3], [sflag:s2] =	dma.local @!p0 [hbm:s0], s1  }
0x148: {  	s0 =	simm.s32 @!p0 $0x9  }
0x149: {  	_ =	swait.ge @!p0 [sflag:s0], s1  }
0x14a: {  	s1 =	ssub.s32 @!p0 $0x0, s1;
	[sflag:s0] =	ssyncset.done @!p0 $0x0  }
0x14b: {  	[sflag:s0] =	ssyncadd.s32 @!p0 s1  }
0x14c: {  	[bflag:$0x3] =	sbarrier.arrive $0xFFFF  }
0x14d: {  	_ =	shalt  }

</sc_bundles>
